<compile_context>
chip_gen: v7x
topology: tpu7x:2x2x1
jax: 0.10.2.dev20260603
libtpu: 0.0.44.dev20260713+nightly
codegen_flags: <defaults>
</compile_context>

<pallas_src>
import functools

import jax
import jax.numpy as jnp
from jax import lax
from jax.experimental import pallas as pl
from jax.experimental.pallas import tpu as pltpu
from jax.experimental.pallas import tpu_sc as plsc

B = 1024
D = 128
VOCAB = 100000
LANES = 16
NC = 2
NS = 16
NW = NC * NS
BPW = B // NW


def _sc_gather_dot(i32, j32, v_w, w_w, bvp, bwp):
    mesh = plsc.VectorSubcoreMesh(
        core_axis_name="c", subcore_axis_name="s", num_cores=NC, num_subcores=NS
    )

    @functools.partial(
        pl.kernel,
        mesh=mesh,
        compiler_params=pltpu.CompilerParams(needs_layout_passes=False),
        out_type=[
            jax.ShapeDtypeStruct((B, LANES), jnp.float32),
            jax.ShapeDtypeStruct((B,), jnp.float32),
        ],
        scratch_types=[
            pltpu.VMEM((BPW,), jnp.int32),
            pltpu.VMEM((BPW,), jnp.int32),
            pltpu.VMEM((BPW,), jnp.int32),
            pltpu.VMEM((BPW,), jnp.int32),
            pltpu.VMEM((BPW, D), jnp.float32),
            pltpu.VMEM((BPW, D), jnp.float32),
            pltpu.VMEM((BPW, D), jnp.float32),
            pltpu.VMEM((BPW, D), jnp.float32),
            pltpu.VMEM((BPW, LANES), jnp.float32),
            pltpu.VMEM((BPW,), jnp.float32),
            pltpu.SemaphoreType.DMA,
            pltpu.SemaphoreType.DMA,
            pltpu.SemaphoreType.DMA,
        ],
    )
    def sc_k(i_hbm, j_hbm, v_hbm, w_hbm, bv_hbm, bw_hbm,
             simp_hbm, bsum_hbm,
             iv, jv, ivh, jvh, vrows, wrows, bvrows, bwrows, simp, bsumv,
             sem, bsem, isem):
        wid = lax.axis_index("s") * NC + lax.axis_index("c")
        base = wid * BPW
        icp = pltpu.async_copy(i_hbm.at[pl.ds(base, BPW)], iv, isem)
        jcp = pltpu.async_copy(j_hbm.at[pl.ds(base, BPW)], jv, isem)
        icp.wait()
        jcp.wait()
        cps = [
            pltpu.async_copy(v_hbm.at[iv], vrows, sem),
            pltpu.async_copy(w_hbm.at[jv], wrows, sem),
        ]
        for g in range(BPW // LANES):
            sl = pl.ds(g * LANES, LANES)
            ivh[sl] = iv[sl] >> 7
            jvh[sl] = jv[sl] >> 7
        bcps = [
            pltpu.async_copy(bv_hbm.at[ivh], bvrows, bsem),
            pltpu.async_copy(bw_hbm.at[jvh], bwrows, bsem),
        ]
        for cp in cps:
            cp.wait()
        @plsc.parallel_loop(0, BPW, 1, unroll=8)
        def _dot_body(e):
            nk = D // LANES
            acc0 = vrows[e, 0:LANES] * wrows[e, 0:LANES]
            ck = pl.ds(LANES, LANES)
            acc1 = vrows[e, ck] * wrows[e, ck]
            for k in range(2, nk, 2):
                c0 = pl.ds(k * LANES, LANES)
                c1 = pl.ds((k + 1) * LANES, LANES)
                acc0 = acc0 + vrows[e, c0] * wrows[e, c0]
                acc1 = acc1 + vrows[e, c1] * wrows[e, c1]
            simp[e, :] = acc0 + acc1
        for cp in bcps:
            cp.wait()
        lanes = lax.iota(jnp.int32, LANES)
        for g in range(BPW // LANES):
            sl = pl.ds(g * LANES, LANES)
            rows = lanes + g * LANES
            bsumv[sl] = (plsc.load_gather(bvrows, [rows, iv[sl] & 127])
                         + plsc.load_gather(bwrows, [rows, jv[sl] & 127]))
        pltpu.sync_copy(simp, simp_hbm.at[pl.ds(base, BPW)])
        pltpu.sync_copy(bsumv, bsum_hbm.at[pl.ds(base, BPW)])

    return sc_k(i32, j32, v_w, w_w, bvp, bwp)


def _tc_finish_body(simp_ref, bsum_ref, co_ref, w_ref, out_ref):
    sim = jnp.sum(simp_ref[...], axis=1).reshape(8, B // 8)
    b = bsum_ref[...]
    mb = jnp.sum(b) * (1.0 / B)
    d = b - mb
    varb = jnp.sum(d * d)
    a = sim - jnp.log(co_ref[...]) + mb
    wv = w_ref[...]
    out_ref[0, 0] = 0.5 * (B * jnp.sum(wv * a * a) + varb * jnp.sum(wv))


def _tc_finish(simp, bsum, co, w):
    out = pl.pallas_call(
        _tc_finish_body,
        out_shape=jax.ShapeDtypeStruct((1, 1), jnp.float32),
        out_specs=pl.BlockSpec(memory_space=pltpu.SMEM),
    )(simp, bsum.reshape(8, B // 8), co.reshape(8, B // 8),
      w.reshape(8, B // 8))
    return out[0, 0]


def _pad_bias(bias):
    flat = bias.reshape(-1)
    pad = (-flat.shape[0]) % D
    return jnp.pad(flat, (0, pad)).reshape(-1, D)


def kernel(i, j, co_occur, weight, v_weight, w_weight, biasv_weight, biasw_weight):
    simp, bsum = _sc_gather_dot(
        i.astype(jnp.int32), j.astype(jnp.int32),
        v_weight, w_weight, _pad_bias(biasv_weight), _pad_bias(biasw_weight))
    return _tc_finish(simp, bsum, co_occur, weight)

# --- scband reference (transcript-rebuilt; emitter-appended) ---
"""Pipeline reference for scband-glove-model-for-bgd-24970939859444 (READ-ONLY COPY).

The authoritative reference and input builder live on the scoring server;
editing this copy changes nothing except your own understanding.
"""

import jax, jax.numpy as jnp
import numpy as np

VOCAB = 100000
EMBED = 128
BATCH = 1024


def setup_inputs(seed: int = 0) -> dict:
    key = jax.random.key(seed)
    k_i, k_j, k_co, k_w, k_v, k_wt, k_bv, k_bw = jax.random.split(key, 8)
    initrange = 0.5 / EMBED
    i = jax.random.randint(k_i, (BATCH,), 0, VOCAB, dtype=jnp.int64 if jax.config.read('jax_enable_x64') else jnp.int32)
    j = jax.random.randint(k_j, (BATCH,), 0, VOCAB, dtype=jnp.int64 if jax.config.read('jax_enable_x64') else jnp.int32)
    co_occur = jax.random.uniform(k_co, (BATCH,), dtype=jnp.float32)
    weight = jax.random.uniform(k_w, (BATCH,), dtype=jnp.float32)
    # learned parameters, matching torch init: v, w uniform(-initrange, initrange); biases default N(0,1)
    v_weight = jax.random.uniform(k_v, (VOCAB, EMBED), dtype=jnp.float32, minval=-initrange, maxval=initrange)
    w_weight = jax.random.uniform(k_wt, (VOCAB, EMBED), dtype=jnp.float32, minval=-initrange, maxval=initrange)
    biasv_weight = jax.random.normal(k_bv, (VOCAB, 1), dtype=jnp.float32)
    biasw_weight = jax.random.normal(k_bw, (VOCAB, 1), dtype=jnp.float32)
    return {
        'i': i,
        'j': j,
        'co_occur': co_occur,
        'weight': weight,
        'v_weight': v_weight,
        'w_weight': w_weight,
        'biasv_weight': biasv_weight,
        'biasw_weight': biasw_weight,
    }


def reference(i, j, co_occur, weight, v_weight, w_weight, biasv_weight, biasw_weight):
    # embedding gathers
    vi = jnp.take(v_weight, i, axis=0)          # [B, D]
    wj = jnp.take(w_weight, j, axis=0)          # [B, D]
    bi = jnp.take(biasv_weight, i, axis=0)      # [B, 1]
    bj = jnp.take(biasw_weight, j, axis=0)      # [B, 1]
    similarity = jnp.sum(vi * wj, axis=1)       # [B]
    # faithful to torch: [B] + [B,1] broadcasts to [B,B]
    loss = similarity + bi + bj - jnp.log(co_occur)
    loss = 0.5 * weight * loss * loss
    # loss.sum().mean() in torch == sum (mean of a scalar)
    return jnp.mean(jnp.sum(loss))

if __name__ == "__main__":
    import jax
    _d = setup_inputs()
    print(jax.jit(kernel)(*tuple(_d.values())))

</pallas_src>

<mosaic_0001>
#map = affine_map<(d0, d1) -> (0)>
#map1 = affine_map<(d0, d1) -> (0, 0)>
module attributes {stable_mosaic.version = 14 : i64} {
  func.func @sc_k(%arg0: i32, %arg1: i32, %arg2: memref<1024xi32, #tpu.memory_space<hbm>>, %arg3: memref<1024xi32, #tpu.memory_space<hbm>>, %arg4: memref<100000x128xf32, #tpu.memory_space<hbm>>, %arg5: memref<100000x128xf32, #tpu.memory_space<hbm>>, %arg6: memref<782x128xf32, #tpu.memory_space<hbm>>, %arg7: memref<782x128xf32, #tpu.memory_space<hbm>>, %arg8: memref<1024x16xf32, #tpu.memory_space<hbm>>, %arg9: memref<1024xf32, #tpu.memory_space<hbm>>, %arg10: memref<32xi32, #tpu.memory_space<vmem>>, %arg11: memref<32xi32, #tpu.memory_space<vmem>>, %arg12: memref<32xi32, #tpu.memory_space<vmem>>, %arg13: memref<32xi32, #tpu.memory_space<vmem>>, %arg14: memref<32x128xf32, #tpu.memory_space<vmem>>, %arg15: memref<32x128xf32, #tpu.memory_space<vmem>>, %arg16: memref<32x128xf32, #tpu.memory_space<vmem>>, %arg17: memref<32x128xf32, #tpu.memory_space<vmem>>, %arg18: memref<32x16xf32, #tpu.memory_space<vmem>>, %arg19: memref<32xf32, #tpu.memory_space<vmem>>, %arg20: memref<!tpu.dma_semaphore, #tpu.memory_space<semaphore_mem>>, %arg21: memref<!tpu.dma_semaphore, #tpu.memory_space<semaphore_mem>>, %arg22: memref<!tpu.dma_semaphore, #tpu.memory_space<semaphore_mem>>) attributes {dimension_semantics = [#tpu.dimension_semantics<core_parallel>, #tpu.dimension_semantics<subcore_parallel>], iteration_bounds = array<i64: 2, 16>, scalar_prefetch = 0 : i64, scratch_operands = 13 : i64, tpu.core_type = #tpu.core_type<sc_vector_subcore>, window_params = [{transform_indices = #map}, {transform_indices = #map}, {transform_indices = #map1}, {transform_indices = #map1}, {transform_indices = #map1}, {transform_indices = #map1}, {transform_indices = #map1}, {transform_indices = #map}]} {
    %mul3A = arith.constant 2 : i32
    %mul3A_0 = arith.muli %arg1, %mul3A : i32
    %add3A = arith.addi %mul3A_0, %arg0 : i32
    %mul3A_1 = arith.constant 32 : i32
    %mul3A_2 = arith.muli %add3A, %mul3A_1 : i32
    %dma_start3A = tpu.memref_slice %arg2[%mul3A_2] : memref<1024xi32, #tpu.memory_space<hbm>> -> memref<32xi32, #tpu.memory_space<hbm>>
    %dma_start3A_3 = tpu.memref_slice %arg2[%mul3A_2] : memref<1024xi32, #tpu.memory_space<hbm>> -> memref<32xi32, #tpu.memory_space<hbm>>
    tpu.enqueue_dma source(%dma_start3A_3 : memref<32xi32, #tpu.memory_space<hbm>>) target(%arg10 : memref<32xi32, #tpu.memory_space<vmem>>) target_semaphore(%arg22 : memref<!tpu.dma_semaphore, #tpu.memory_space<semaphore_mem>>)
    %dma_start3A_4 = tpu.memref_slice %arg3[%mul3A_2] : memref<1024xi32, #tpu.memory_space<hbm>> -> memref<32xi32, #tpu.memory_space<hbm>>
    %dma_start3A_5 = tpu.memref_slice %arg3[%mul3A_2] : memref<1024xi32, #tpu.memory_space<hbm>> -> memref<32xi32, #tpu.memory_space<hbm>>
    tpu.enqueue_dma source(%dma_start3A_5 : memref<32xi32, #tpu.memory_space<hbm>>) target(%arg11 : memref<32xi32, #tpu.memory_space<vmem>>) target_semaphore(%arg22 : memref<!tpu.dma_semaphore, #tpu.memory_space<semaphore_mem>>)
    %dma_wait3A = tpu.memref_slice %arg2[%mul3A_2] : memref<1024xi32, #tpu.memory_space<hbm>> -> memref<32xi32, #tpu.memory_space<hbm>>
    %dma_wait3A_6 = tpu.memref_slice %arg2[%mul3A_2] : memref<1024xi32, #tpu.memory_space<hbm>> -> memref<32xi32, #tpu.memory_space<hbm>>
    tpu.wait_dma2 semaphore(%arg22 : memref<!tpu.dma_semaphore, #tpu.memory_space<semaphore_mem>>) src(%dma_wait3A_6 : memref<32xi32, #tpu.memory_space<hbm>>) dst(%arg10 : memref<32xi32, #tpu.memory_space<vmem>>)
    %dma_wait3A_7 = tpu.memref_slice %arg3[%mul3A_2] : memref<1024xi32, #tpu.memory_space<hbm>> -> memref<32xi32, #tpu.memory_space<hbm>>
    %dma_wait3A_8 = tpu.memref_slice %arg3[%mul3A_2] : memref<1024xi32, #tpu.memory_space<hbm>> -> memref<32xi32, #tpu.memory_space<hbm>>
    tpu.wait_dma2 semaphore(%arg22 : memref<!tpu.dma_semaphore, #tpu.memory_space<semaphore_mem>>) src(%dma_wait3A_8 : memref<32xi32, #tpu.memory_space<hbm>>) dst(%arg11 : memref<32xi32, #tpu.memory_space<vmem>>)
    %dma_start3A_9 = arith.constant 0 : i32
    %dma_start3A_10 = arith.constant 0 : i32
    %dma_start3A_11 = tpu.memref_slice %arg4[%dma_start3A_9, %dma_start3A_10] : memref<100000x128xf32, #tpu.memory_space<hbm>> -> memref<100000x128xf32, #tpu.memory_space<hbm>>
    tpu.enqueue_indirect_dma source(%dma_start3A_11 : memref<100000x128xf32, #tpu.memory_space<hbm>>) target(%arg14 : memref<32x128xf32, #tpu.memory_space<vmem>>) offsets(%arg10 : memref<32xi32, #tpu.memory_space<vmem>>) semaphore(%arg20 : memref<!tpu.dma_semaphore, #tpu.memory_space<semaphore_mem>>)
    %dma_start3A_12 = arith.constant 0 : i32
    %dma_start3A_13 = arith.constant 0 : i32
    %dma_start3A_14 = tpu.memref_slice %arg5[%dma_start3A_12, %dma_start3A_13] : memref<100000x128xf32, #tpu.memory_space<hbm>> -> memref<100000x128xf32, #tpu.memory_space<hbm>>
    tpu.enqueue_indirect_dma source(%dma_start3A_14 : memref<100000x128xf32, #tpu.memory_space<hbm>>) target(%arg15 : memref<32x128xf32, #tpu.memory_space<vmem>>) offsets(%arg11 : memref<32xi32, #tpu.memory_space<vmem>>) semaphore(%arg20 : memref<!tpu.dma_semaphore, #tpu.memory_space<semaphore_mem>>)
    %get3A = arith.constant 0 : index
    %get3A_15 = tpu.vector_load %arg10[%get3A] {strides = array<i32>} : memref<32xi32, #tpu.memory_space<vmem>>, vector<16xi32>,
    %shift_right_arithmetic3A = arith.constant 7 : i32
    %shift_right_arithmetic3A_16 = vector.broadcast %shift_right_arithmetic3A : i32 to vector<16xi32>
    %shift_right_arithmetic3A_17 = arith.shrsi %get3A_15, %shift_right_arithmetic3A_16 : vector<16xi32>
    %swap3A = arith.constant 0 : index
    %swap3A_18 = tpu.vector_load %arg12[%swap3A] {strides = array<i32>} : memref<32xi32, #tpu.memory_space<vmem>>, vector<16xi32>,
    tpu.vector_store %arg12[%swap3A], %shift_right_arithmetic3A_17 {strides = array<i32>} : memref<32xi32, #tpu.memory_space<vmem>>, vector<16xi32>,
    %get3A_19 = arith.constant 0 : index
    %get3A_20 = tpu.vector_load %arg11[%get3A_19] {strides = array<i32>} : memref<32xi32, #tpu.memory_space<vmem>>, vector<16xi32>,
    %shift_right_arithmetic3A_21 = arith.constant 7 : i32
    %shift_right_arithmetic3A_22 = vector.broadcast %shift_right_arithmetic3A_21 : i32 to vector<16xi32>
    %shift_right_arithmetic3A_23 = arith.shrsi %get3A_20, %shift_right_arithmetic3A_22 : vector<16xi32>
    %swap3A_24 = arith.constant 0 : index
    %swap3A_25 = tpu.vector_load %arg13[%swap3A_24] {strides = array<i32>} : memref<32xi32, #tpu.memory_space<vmem>>, vector<16xi32>,
    tpu.vector_store %arg13[%swap3A_24], %shift_right_arithmetic3A_23 {strides = array<i32>} : memref<32xi32, #tpu.memory_space<vmem>>, vector<16xi32>,
    %get3A_26 = arith.constant 16 : index
    %get3A_27 = tpu.vector_load %arg10[%get3A_26] {strides = array<i32>} : memref<32xi32, #tpu.memory_space<vmem>>, vector<16xi32>,
    %shift_right_arithmetic3A_28 = arith.constant 7 : i32
    %shift_right_arithmetic3A_29 = vector.broadcast %shift_right_arithmetic3A_28 : i32 to vector<16xi32>
    %shift_right_arithmetic3A_30 = arith.shrsi %get3A_27, %shift_right_arithmetic3A_29 : vector<16xi32>
    %swap3A_31 = arith.constant 16 : index
    %swap3A_32 = tpu.vector_load %arg12[%swap3A_31] {strides = array<i32>} : memref<32xi32, #tpu.memory_space<vmem>>, vector<16xi32>,
    tpu.vector_store %arg12[%swap3A_31], %shift_right_arithmetic3A_30 {strides = array<i32>} : memref<32xi32, #tpu.memory_space<vmem>>, vector<16xi32>,
    %get3A_33 = arith.constant 16 : index
    %get3A_34 = tpu.vector_load %arg11[%get3A_33] {strides = array<i32>} : memref<32xi32, #tpu.memory_space<vmem>>, vector<16xi32>,
    %shift_right_arithmetic3A_35 = arith.constant 7 : i32
    %shift_right_arithmetic3A_36 = vector.broadcast %shift_right_arithmetic3A_35 : i32 to vector<16xi32>
    %shift_right_arithmetic3A_37 = arith.shrsi %get3A_34, %shift_right_arithmetic3A_36 : vector<16xi32>
    %swap3A_38 = arith.constant 16 : index
    %swap3A_39 = tpu.vector_load %arg13[%swap3A_38] {strides = array<i32>} : memref<32xi32, #tpu.memory_space<vmem>>, vector<16xi32>,
    tpu.vector_store %arg13[%swap3A_38], %shift_right_arithmetic3A_37 {strides = array<i32>} : memref<32xi32, #tpu.memory_space<vmem>>, vector<16xi32>,
    %dma_start3A_40 = arith.constant 0 : i32
    %dma_start3A_41 = arith.constant 0 : i32
    %dma_start3A_42 = tpu.memref_slice %arg6[%dma_start3A_40, %dma_start3A_41] : memref<782x128xf32, #tpu.memory_space<hbm>> -> memref<782x128xf32, #tpu.memory_space<hbm>>
    tpu.enqueue_indirect_dma source(%dma_start3A_42 : memref<782x128xf32, #tpu.memory_space<hbm>>) target(%arg16 : memref<32x128xf32, #tpu.memory_space<vmem>>) offsets(%arg12 : memref<32xi32, #tpu.memory_space<vmem>>) semaphore(%arg21 : memref<!tpu.dma_semaphore, #tpu.memory_space<semaphore_mem>>)
    %dma_start3A_43 = arith.constant 0 : i32
    %dma_start3A_44 = arith.constant 0 : i32
    %dma_start3A_45 = tpu.memref_slice %arg7[%dma_start3A_43, %dma_start3A_44] : memref<782x128xf32, #tpu.memory_space<hbm>> -> memref<782x128xf32, #tpu.memory_space<hbm>>
    tpu.enqueue_indirect_dma source(%dma_start3A_45 : memref<782x128xf32, #tpu.memory_space<hbm>>) target(%arg17 : memref<32x128xf32, #tpu.memory_space<vmem>>) offsets(%arg13 : memref<32xi32, #tpu.memory_space<vmem>>) semaphore(%arg21 : memref<!tpu.dma_semaphore, #tpu.memory_space<semaphore_mem>>)
    %dma_wait3A_46 = arith.constant 0 : i32
    %dma_wait3A_47 = arith.constant 0 : i32
    %dma_wait3A_48 = tpu.memref_slice %arg4[%dma_wait3A_46, %dma_wait3A_47] : memref<100000x128xf32, #tpu.memory_space<hbm>> -> memref<100000x128xf32, #tpu.memory_space<hbm>>
    tpu.wait_indirect_dma semaphore(%arg20 : memref<!tpu.dma_semaphore, #tpu.memory_space<semaphore_mem>>) src(%dma_wait3A_48 : memref<100000x128xf32, #tpu.memory_space<hbm>>) dst(%arg14 : memref<32x128xf32, #tpu.memory_space<vmem>>)
    %dma_wait3A_49 = arith.constant 0 : i32
    %dma_wait3A_50 = arith.constant 0 : i32
    %dma_wait3A_51 = tpu.memref_slice %arg5[%dma_wait3A_49, %dma_wait3A_50] : memref<100000x128xf32, #tpu.memory_space<hbm>> -> memref<100000x128xf32, #tpu.memory_space<hbm>>
    tpu.wait_indirect_dma semaphore(%arg20 : memref<!tpu.dma_semaphore, #tpu.memory_space<semaphore_mem>>) src(%dma_wait3A_51 : memref<100000x128xf32, #tpu.memory_space<hbm>>) dst(%arg15 : memref<32x128xf32, #tpu.memory_space<vmem>>)
    %parallel_loop3A = arith.constant 0 : i32
    %parallel_loop3A_52 = arith.constant 32 : i32
    %parallel_loop3A_53 = arith.constant 1 : i32
    scf.for %parallel_loop3A_94 = %parallel_loop3A to %parallel_loop3A_52 step %parallel_loop3A_53  : i32 {
      %parallel_loop3A_95 = arith.index_cast %parallel_loop3A_94 : i32 to index
      %parallel_loop3A_96 = arith.constant 0 : index
      %parallel_loop3A_97 = tpu.vector_load %arg14[%parallel_loop3A_95, %parallel_loop3A_96] {strides = array<i32>} : memref<32x128xf32, #tpu.memory_space<vmem>>, vector<16xf32>,
      %parallel_loop3A_98 = arith.index_cast %parallel_loop3A_94 : i32 to index
      %parallel_loop3A_99 = arith.constant 0 : index
      %parallel_loop3A_100 = tpu.vector_load %arg15[%parallel_loop3A_98, %parallel_loop3A_99] {strides = array<i32>} : memref<32x128xf32, #tpu.memory_space<vmem>>, vector<16xf32>,
      %parallel_loop3A_101 = arith.mulf %parallel_loop3A_97, %parallel_loop3A_100 : vector<16xf32>
      %parallel_loop3A_102 = arith.index_cast %parallel_loop3A_94 : i32 to index
      %parallel_loop3A_103 = arith.constant 16 : index
      %parallel_loop3A_104 = tpu.vector_load %arg14[%parallel_loop3A_102, %parallel_loop3A_103] {strides = array<i32>} : memref<32x128xf32, #tpu.memory_space<vmem>>, vector<16xf32>,
      %parallel_loop3A_105 = arith.index_cast %parallel_loop3A_94 : i32 to index
      %parallel_loop3A_106 = arith.constant 16 : index
      %parallel_loop3A_107 = tpu.vector_load %arg15[%parallel_loop3A_105, %parallel_loop3A_106] {strides = array<i32>} : memref<32x128xf32, #tpu.memory_space<vmem>>, vector<16xf32>,
      %parallel_loop3A_108 = arith.mulf %parallel_loop3A_104, %parallel_loop3A_107 : vector<16xf32>
      %parallel_loop3A_109 = arith.index_cast %parallel_loop3A_94 : i32 to index
      %parallel_loop3A_110 = arith.constant 32 : index
      %parallel_loop3A_111 = tpu.vector_load %arg14[%parallel_loop3A_109, %parallel_loop3A_110] {strides = array<i32>} : memref<32x128xf32, #tpu.memory_space<vmem>>, vector<16xf32>,
      %parallel_loop3A_112 = arith.index_cast %parallel_loop3A_94 : i32 to index
      %parallel_loop3A_113 = arith.constant 32 : index
      %parallel_loop3A_114 = tpu.vector_load %arg15[%parallel_loop3A_112, %parallel_loop3A_113] {strides = array<i32>} : memref<32x128xf32, #tpu.memory_space<vmem>>, vector<16xf32>,
      %parallel_loop3A_115 = arith.mulf %parallel_loop3A_111, %parallel_loop3A_114 : vector<16xf32>
      %parallel_loop3A_116 = arith.addf %parallel_loop3A_101, %parallel_loop3A_115 : vector<16xf32>
      %parallel_loop3A_117 = arith.index_cast %parallel_loop3A_94 : i32 to index
      %parallel_loop3A_118 = arith.constant 48 : index
      %parallel_loop3A_119 = tpu.vector_load %arg14[%parallel_loop3A_117, %parallel_loop3A_118] {strides = array<i32>} : memref<32x128xf32, #tpu.memory_space<vmem>>, vector<16xf32>,
      %parallel_loop3A_120 = arith.index_cast %parallel_loop3A_94 : i32 to index
      %parallel_loop3A_121 = arith.constant 48 : index
      %parallel_loop3A_122 = tpu.vector_load %arg15[%parallel_loop3A_120, %parallel_loop3A_121] {strides = array<i32>} : memref<32x128xf32, #tpu.memory_space<vmem>>, vector<16xf32>,
      %parallel_loop3A_123 = arith.mulf %parallel_loop3A_119, %parallel_loop3A_122 : vector<16xf32>
      %parallel_loop3A_124 = arith.addf %parallel_loop3A_108, %parallel_loop3A_123 : vector<16xf32>
      %parallel_loop3A_125 = arith.index_cast %parallel_loop3A_94 : i32 to index
      %parallel_loop3A_126 = arith.constant 64 : index
      %parallel_loop3A_127 = tpu.vector_load %arg14[%parallel_loop3A_125, %parallel_loop3A_126] {strides = array<i32>} : memref<32x128xf32, #tpu.memory_space<vmem>>, vector<16xf32>,
      %parallel_loop3A_128 = arith.index_cast %parallel_loop3A_94 : i32 to index
      %parallel_loop3A_129 = arith.constant 64 : index
      %parallel_loop3A_130 = tpu.vector_load %arg15[%parallel_loop3A_128, %parallel_loop3A_129] {strides = array<i32>} : memref<32x128xf32, #tpu.memory_space<vmem>>, vector<16xf32>,
      %parallel_loop3A_131 = arith.mulf %parallel_loop3A_127, %parallel_loop3A_130 : vector<16xf32>
      %parallel_loop3A_132 = arith.addf %parallel_loop3A_116, %parallel_loop3A_131 : vector<16xf32>
      %parallel_loop3A_133 = arith.index_cast %parallel_loop3A_94 : i32 to index
      %parallel_loop3A_134 = arith.constant 80 : index
      %parallel_loop3A_135 = tpu.vector_load %arg14[%parallel_loop3A_133, %parallel_loop3A_134] {strides = array<i32>} : memref<32x128xf32, #tpu.memory_space<vmem>>, vector<16xf32>,
      %parallel_loop3A_136 = arith.index_cast %parallel_loop3A_94 : i32 to index
      %parallel_loop3A_137 = arith.constant 80 : index
      %parallel_loop3A_138 = tpu.vector_load %arg15[%parallel_loop3A_136, %parallel_loop3A_137] {strides = array<i32>} : memref<32x128xf32, #tpu.memory_space<vmem>>, vector<16xf32>,
      %parallel_loop3A_139 = arith.mulf %parallel_loop3A_135, %parallel_loop3A_138 : vector<16xf32>
      %parallel_loop3A_140 = arith.addf %parallel_loop3A_124, %parallel_loop3A_139 : vector<16xf32>
      %parallel_loop3A_141 = arith.index_cast %parallel_loop3A_94 : i32 to index
      %parallel_loop3A_142 = arith.constant 96 : index
      %parallel_loop3A_143 = tpu.vector_load %arg14[%parallel_loop3A_141, %parallel_loop3A_142] {strides = array<i32>} : memref<32x128xf32, #tpu.memory_space<vmem>>, vector<16xf32>,
      %parallel_loop3A_144 = arith.index_cast %parallel_loop3A_94 : i32 to index
      %parallel_loop3A_145 = arith.constant 96 : index
      %parallel_loop3A_146 = tpu.vector_load %arg15[%parallel_loop3A_144, %parallel_loop3A_145] {strides = array<i32>} : memref<32x128xf32, #tpu.memory_space<vmem>>, vector<16xf32>,
      %parallel_loop3A_147 = arith.mulf %parallel_loop3A_143, %parallel_loop3A_146 : vector<16xf32>
      %parallel_loop3A_148 = arith.addf %parallel_loop3A_132, %parallel_loop3A_147 : vector<16xf32>
      %parallel_loop3A_149 = arith.index_cast %parallel_loop3A_94 : i32 to index
      %parallel_loop3A_150 = arith.constant 112 : index
      %parallel_loop3A_151 = tpu.vector_load %arg14[%parallel_loop3A_149, %parallel_loop3A_150] {strides = array<i32>} : memref<32x128xf32, #tpu.memory_space<vmem>>, vector<16xf32>,
      %parallel_loop3A_152 = arith.index_cast %parallel_loop3A_94 : i32 to index
      %parallel_loop3A_153 = arith.constant 112 : index
      %parallel_loop3A_154 = tpu.vector_load %arg15[%parallel_loop3A_152, %parallel_loop3A_153] {strides = array<i32>} : memref<32x128xf32, #tpu.memory_space<vmem>>, vector<16xf32>,
      %parallel_loop3A_155 = arith.mulf %parallel_loop3A_151, %parallel_loop3A_154 : vector<16xf32>
      %parallel_loop3A_156 = arith.addf %parallel_loop3A_140, %parallel_loop3A_155 : vector<16xf32>
      %parallel_loop3A_157 = arith.addf %parallel_loop3A_148, %parallel_loop3A_156 : vector<16xf32>
      %parallel_loop3A_158 = arith.index_cast %parallel_loop3A_94 : i32 to index
      %parallel_loop3A_159 = arith.constant 0 : index
      %parallel_loop3A_160 = tpu.vector_load %arg18[%parallel_loop3A_158, %parallel_loop3A_159] {strides = array<i32>} : memref<32x16xf32, #tpu.memory_space<vmem>>, vector<16xf32>,
      tpu.vector_store %arg18[%parallel_loop3A_158, %parallel_loop3A_159], %parallel_loop3A_157 {strides = array<i32>} : memref<32x16xf32, #tpu.memory_space<vmem>>, vector<16xf32>,
    } {sc.loop_unroll_factor = 8 : i64, sc.parallel_access}
    %dma_wait3A_54 = arith.constant 0 : i32
    %dma_wait3A_55 = arith.constant 0 : i32
    %dma_wait3A_56 = tpu.memref_slice %arg6[%dma_wait3A_54, %dma_wait3A_55] : memref<782x128xf32, #tpu.memory_space<hbm>> -> memref<782x128xf32, #tpu.memory_space<hbm>>
    tpu.wait_indirect_dma semaphore(%arg21 : memref<!tpu.dma_semaphore, #tpu.memory_space<semaphore_mem>>) src(%dma_wait3A_56 : memref<782x128xf32, #tpu.memory_space<hbm>>) dst(%arg16 : memref<32x128xf32, #tpu.memory_space<vmem>>)
    %dma_wait3A_57 = arith.constant 0 : i32
    %dma_wait3A_58 = arith.constant 0 : i32
    %dma_wait3A_59 = tpu.memref_slice %arg7[%dma_wait3A_57, %dma_wait3A_58] : memref<782x128xf32, #tpu.memory_space<hbm>> -> memref<782x128xf32, #tpu.memory_space<hbm>>
    tpu.wait_indirect_dma semaphore(%arg21 : memref<!tpu.dma_semaphore, #tpu.memory_space<semaphore_mem>>) src(%dma_wait3A_59 : memref<782x128xf32, #tpu.memory_space<hbm>>) dst(%arg17 : memref<32x128xf32, #tpu.memory_space<vmem>>)
    %iota3A = tpu.iota {dimensions = array<i32: 0>} : vector<16xi32>
    %add3A_60 = arith.constant 0 : i32
    %add3A_61 = vector.broadcast %add3A_60 : i32 to vector<16xi32>
    %add3A_62 = arith.addi %iota3A, %add3A_61 : vector<16xi32>
    %get3A_63 = arith.constant 0 : index
    %get3A_64 = tpu.vector_load %arg10[%get3A_63] {strides = array<i32>} : memref<32xi32, #tpu.memory_space<vmem>>, vector<16xi32>,
    %and3A = arith.constant 127 : i32
    %and3A_65 = vector.broadcast %and3A : i32 to vector<16xi32>
    %and3A_66 = arith.andi %get3A_64, %and3A_65 : vector<16xi32>
    %gather3A = tpu.vector_load_idx %arg16[%add3A_62, %and3A_66] : memref<32x128xf32, #tpu.memory_space<vmem>>[vector<16xi32>, vector<16xi32>], vector<16xf32>,
    %get3A_67 = arith.constant 0 : index
    %get3A_68 = tpu.vector_load %arg11[%get3A_67] {strides = array<i32>} : memref<32xi32, #tpu.memory_space<vmem>>, vector<16xi32>,
    %and3A_69 = arith.constant 127 : i32
    %and3A_70 = vector.broadcast %and3A_69 : i32 to vector<16xi32>
    %and3A_71 = arith.andi %get3A_68, %and3A_70 : vector<16xi32>
    %gather3A_72 = tpu.vector_load_idx %arg17[%add3A_62, %and3A_71] : memref<32x128xf32, #tpu.memory_space<vmem>>[vector<16xi32>, vector<16xi32>], vector<16xf32>,
    %add3A_73 = arith.addf %gather3A, %gather3A_72 : vector<16xf32>
    %swap3A_74 = arith.constant 0 : index
    %swap3A_75 = tpu.vector_load %arg19[%swap3A_74] {strides = array<i32>} : memref<32xf32, #tpu.memory_space<vmem>>, vector<16xf32>,
    tpu.vector_store %arg19[%swap3A_74], %add3A_73 {strides = array<i32>} : memref<32xf32, #tpu.memory_space<vmem>>, vector<16xf32>,
    %add3A_76 = arith.constant 16 : i32
    %add3A_77 = vector.broadcast %add3A_76 : i32 to vector<16xi32>
    %add3A_78 = arith.addi %iota3A, %add3A_77 : vector<16xi32>
    %get3A_79 = arith.constant 16 : index
    %get3A_80 = tpu.vector_load %arg10[%get3A_79] {strides = array<i32>} : memref<32xi32, #tpu.memory_space<vmem>>, vector<16xi32>,
    %and3A_81 = arith.constant 127 : i32
    %and3A_82 = vector.broadcast %and3A_81 : i32 to vector<16xi32>
    %and3A_83 = arith.andi %get3A_80, %and3A_82 : vector<16xi32>
    %gather3A_84 = tpu.vector_load_idx %arg16[%add3A_78, %and3A_83] : memref<32x128xf32, #tpu.memory_space<vmem>>[vector<16xi32>, vector<16xi32>], vector<16xf32>,
    %get3A_85 = arith.constant 16 : index
    %get3A_86 = tpu.vector_load %arg11[%get3A_85] {strides = array<i32>} : memref<32xi32, #tpu.memory_space<vmem>>, vector<16xi32>,
    %and3A_87 = arith.constant 127 : i32
    %and3A_88 = vector.broadcast %and3A_87 : i32 to vector<16xi32>
    %and3A_89 = arith.andi %get3A_86, %and3A_88 : vector<16xi32>
    %gather3A_90 = tpu.vector_load_idx %arg17[%add3A_78, %and3A_89] : memref<32x128xf32, #tpu.memory_space<vmem>>[vector<16xi32>, vector<16xi32>], vector<16xf32>,
    %add3A_91 = arith.addf %gather3A_84, %gather3A_90 : vector<16xf32>
    %swap3A_92 = arith.constant 16 : index
    %swap3A_93 = tpu.vector_load %arg19[%swap3A_92] {strides = array<i32>} : memref<32xf32, #tpu.memory_space<vmem>>, vector<16xf32>,
    tpu.vector_store %arg19[%swap3A_92], %add3A_91 {strides = array<i32>} : memref<32xf32, #tpu.memory_space<vmem>>, vector<16xf32>,
    "tpu.region"() ({
      %run_scoped3A = tpu.sem_alloc : memref<!tpu.dma_semaphore, #tpu.memory_space<semaphore_mem>>
      %dma_start3A_94 = arith.constant 0 : i32
      %dma_start3A_95 = tpu.memref_slice %arg8[%mul3A_2, %dma_start3A_94] : memref<1024x16xf32, #tpu.memory_space<hbm>> -> memref<32x16xf32, #tpu.memory_space<hbm>>
      %dma_start3A_96 = arith.constant 0 : i32
      %dma_start3A_97 = tpu.memref_slice %arg8[%mul3A_2, %dma_start3A_96] : memref<1024x16xf32, #tpu.memory_space<hbm>> -> memref<32x16xf32, #tpu.memory_space<hbm>>
      tpu.enqueue_dma source(%arg18 : memref<32x16xf32, #tpu.memory_space<vmem>>) target(%dma_start3A_97 : memref<32x16xf32, #tpu.memory_space<hbm>>) target_semaphore(%run_scoped3A : memref<!tpu.dma_semaphore, #tpu.memory_space<semaphore_mem>>)
      %dma_wait3A_98 = arith.constant 0 : i32
      %dma_wait3A_99 = tpu.memref_slice %arg8[%mul3A_2, %dma_wait3A_98] : memref<1024x16xf32, #tpu.memory_space<hbm>> -> memref<32x16xf32, #tpu.memory_space<hbm>>
      %dma_wait3A_100 = arith.constant 0 : i32
      %dma_wait3A_101 = tpu.memref_slice %arg8[%mul3A_2, %dma_wait3A_100] : memref<1024x16xf32, #tpu.memory_space<hbm>> -> memref<32x16xf32, #tpu.memory_space<hbm>>
      tpu.wait_dma2 semaphore(%run_scoped3A : memref<!tpu.dma_semaphore, #tpu.memory_space<semaphore_mem>>) src(%arg18 : memref<32x16xf32, #tpu.memory_space<vmem>>) dst(%dma_wait3A_101 : memref<32x16xf32, #tpu.memory_space<hbm>>)
      tpu.yield
    }) : () -> ()
    "tpu.region"() ({
      %run_scoped3A = tpu.sem_alloc : memref<!tpu.dma_semaphore, #tpu.memory_space<semaphore_mem>>
      %dma_start3A_94 = tpu.memref_slice %arg9[%mul3A_2] : memref<1024xf32, #tpu.memory_space<hbm>> -> memref<32xf32, #tpu.memory_space<hbm>>
      %dma_start3A_95 = tpu.memref_slice %arg9[%mul3A_2] : memref<1024xf32, #tpu.memory_space<hbm>> -> memref<32xf32, #tpu.memory_space<hbm>>
      tpu.enqueue_dma source(%arg19 : memref<32xf32, #tpu.memory_space<vmem>>) target(%dma_start3A_95 : memref<32xf32, #tpu.memory_space<hbm>>) target_semaphore(%run_scoped3A : memref<!tpu.dma_semaphore, #tpu.memory_space<semaphore_mem>>)
      %dma_wait3A_96 = tpu.memref_slice %arg9[%mul3A_2] : memref<1024xf32, #tpu.memory_space<hbm>> -> memref<32xf32, #tpu.memory_space<hbm>>
      %dma_wait3A_97 = tpu.memref_slice %arg9[%mul3A_2] : memref<1024xf32, #tpu.memory_space<hbm>> -> memref<32xf32, #tpu.memory_space<hbm>>
      tpu.wait_dma2 semaphore(%run_scoped3A : memref<!tpu.dma_semaphore, #tpu.memory_space<semaphore_mem>>) src(%arg19 : memref<32xf32, #tpu.memory_space<vmem>>) dst(%dma_wait3A_97 : memref<32xf32, #tpu.memory_space<hbm>>)
      tpu.yield
    }) : () -> ()
    return
  }
}

module attributes {stable_mosaic.version = 14 : i64} {
  func.func @_tc_finish_body(%arg0: memref<1024x16xf32, #tpu.memory_space<vmem>>, %arg1: memref<8x128xf32, #tpu.memory_space<vmem>>, %arg2: memref<8x128xf32, #tpu.memory_space<vmem>>, %arg3: memref<8x128xf32, #tpu.memory_space<vmem>>, %arg4: memref<1x1xf32, #tpu.memory_space<smem>>) attributes {dimension_semantics = [], scalar_prefetch = 0 : i64, scratch_operands = 0 : i64, tpu.core_type = #tpu.core_type<tc>} {
    %get3A = arith.constant 0 : index
    %get3A_0 = arith.constant 0 : index
    %get3A_1 = vector.load %arg0[%get3A, %get3A_0] : memref<1024x16xf32, #tpu.memory_space<vmem>>, vector<1024x16xf32>
    %reduce_sum3A = arith.constant dense<0.000000e+00> : vector<1024xf32>
    %reduce_sum3A_2 = vector.multi_reduction <add>, %get3A_1, %reduce_sum3A [1] : vector<1024x16xf32> to vector<1024xf32>
    %reshape3A = vector.shape_cast %reduce_sum3A_2 : vector<1024xf32> to vector<8x128xf32>
    %get3A_3 = arith.constant 0 : index
    %get3A_4 = arith.constant 0 : index
    %get3A_5 = vector.load %arg1[%get3A_3, %get3A_4] : memref<8x128xf32, #tpu.memory_space<vmem>>, vector<8x128xf32>
    %reduce_sum3A_6 = vector.shape_cast %get3A_5 : vector<8x128xf32> to vector<1x8x128xf32>
    %reduce_sum3A_7 = arith.constant dense<0.000000e+00> : vector<1xf32>
    %reduce_sum3A_8 = vector.multi_reduction <add>, %reduce_sum3A_6, %reduce_sum3A_7 [1, 2] : vector<1x8x128xf32> to vector<1xf32>
    %reduce_sum3A_9 = vector.shape_cast %reduce_sum3A_8 : vector<1xf32> to vector<1x1x1xf32>
    %reduce_sum3A_10 = vector.extract %reduce_sum3A_9[0, 0, 0] : f32 from vector<1x1x1xf32>
    %mul3A = arith.constant 9.765625E-4 : f32
    %mul3A_11 = arith.mulf %reduce_sum3A_10, %mul3A : f32
    %sub3A = vector.broadcast %mul3A_11 : f32 to vector<8x128xf32>
    %sub3A_12 = arith.subf %get3A_5, %sub3A : vector<8x128xf32>
    %mul3A_13 = arith.mulf %sub3A_12, %sub3A_12 : vector<8x128xf32>
    %reduce_sum3A_14 = vector.shape_cast %mul3A_13 : vector<8x128xf32> to vector<1x8x128xf32>
    %reduce_sum3A_15 = arith.constant dense<0.000000e+00> : vector<1xf32>
    %reduce_sum3A_16 = vector.multi_reduction <add>, %reduce_sum3A_14, %reduce_sum3A_15 [1, 2] : vector<1x8x128xf32> to vector<1xf32>
    %reduce_sum3A_17 = vector.shape_cast %reduce_sum3A_16 : vector<1xf32> to vector<1x1x1xf32>
    %reduce_sum3A_18 = vector.extract %reduce_sum3A_17[0, 0, 0] : f32 from vector<1x1x1xf32>
    %get3A_19 = arith.constant 0 : index
    %get3A_20 = arith.constant 0 : index
    %get3A_21 = vector.load %arg2[%get3A_19, %get3A_20] : memref<8x128xf32, #tpu.memory_space<vmem>>, vector<8x128xf32>
    %log3A = math.log %get3A_21 : vector<8x128xf32>
    %sub3A_22 = arith.subf %reshape3A, %log3A : vector<8x128xf32>
    %add3A = vector.broadcast %mul3A_11 : f32 to vector<8x128xf32>
    %add3A_23 = arith.addf %sub3A_22, %add3A : vector<8x128xf32>
    %get3A_24 = arith.constant 0 : index
    %get3A_25 = arith.constant 0 : index
    %get3A_26 = vector.load %arg3[%get3A_24, %get3A_25] : memref<8x128xf32, #tpu.memory_space<vmem>>, vector<8x128xf32>
    %mul3A_27 = arith.mulf %get3A_26, %add3A_23 : vector<8x128xf32>
    %mul3A_28 = arith.mulf %mul3A_27, %add3A_23 : vector<8x128xf32>
    %reduce_sum3A_29 = vector.shape_cast %mul3A_28 : vector<8x128xf32> to vector<1x8x128xf32>
    %reduce_sum3A_30 = arith.constant dense<0.000000e+00> : vector<1xf32>
    %reduce_sum3A_31 = vector.multi_reduction <add>, %reduce_sum3A_29, %reduce_sum3A_30 [1, 2] : vector<1x8x128xf32> to vector<1xf32>
    %reduce_sum3A_32 = vector.shape_cast %reduce_sum3A_31 : vector<1xf32> to vector<1x1x1xf32>
    %reduce_sum3A_33 = vector.extract %reduce_sum3A_32[0, 0, 0] : f32 from vector<1x1x1xf32>
    %mul3A_34 = arith.constant 1.024000e+03 : f32
    %mul3A_35 = arith.mulf %mul3A_34, %reduce_sum3A_33 : f32
    %reduce_sum3A_36 = vector.shape_cast %get3A_26 : vector<8x128xf32> to vector<1x8x128xf32>
    %reduce_sum3A_37 = arith.constant dense<0.000000e+00> : vector<1xf32>
    %reduce_sum3A_38 = vector.multi_reduction <add>, %reduce_sum3A_36, %reduce_sum3A_37 [1, 2] : vector<1x8x128xf32> to vector<1xf32>
    %reduce_sum3A_39 = vector.shape_cast %reduce_sum3A_38 : vector<1xf32> to vector<1x1x1xf32>
    %reduce_sum3A_40 = vector.extract %reduce_sum3A_39[0, 0, 0] : f32 from vector<1x1x1xf32>
    %mul3A_41 = arith.mulf %reduce_sum3A_18, %reduce_sum3A_40 : f32
    %add3A_42 = arith.addf %mul3A_35, %mul3A_41 : f32
    %mul3A_43 = arith.constant 5.000000e-01 : f32
    %mul3A_44 = arith.mulf %mul3A_43, %add3A_42 : f32
    %swap3A = arith.constant 0 : index
    %swap3A_45 = arith.constant 0 : index
    %swap3A_46 = memref.load %arg4[%swap3A, %swap3A_45] : memref<1x1xf32, #tpu.memory_space<smem>>
    memref.store %mul3A_44, %arg4[%swap3A, %swap3A_45] : memref<1x1xf32, #tpu.memory_space<smem>>
    return
  }
}

</mosaic_0001>

<sc_bundles>
// kernel: kernel.4.cloned.1.call-start
scs
__scs_entry_jumppad:
0x0: {  	(pc) =	sbr.rel $0x88, $3  }
0x1: {  	(tag) =	ssettag $0x0;
	lr =	simm.s32 $0x1  }
0x2: {  	[smem:$0x3F99] =	sst lr;
	_ =	strace $0xD0000000  }
0x3: {  	_ = 	snop  }
0x4: {  	_ = 	snop  }
0x5: {  	_ = 	snop  }
0x6: {  	_ = 	snop  }
0x7: {  	_ = 	snop  }
__scs_overlays_trampoline_lowered:
0x8: {  	[smem:$0x3FA8] =	sst s0  }
0x9: {  	[smem:$0x3FA9] =	sst s1  }
0xa: {  	[smem:$0x3FAA] =	sst s2  }
0xb: {  	[smem:$0x3FAB] =	sst s3  }
0xc: {  	[smem:$0x3FAC] =	sst s4  }
0xd: {  	[smem:$0x3FAD] =	sst s5  }
0xe: {  	[smem:$0x3FAE] =	sst s6  }
0xf: {  	[smem:$0x3FAF] =	sst s7  }
0x10: {  	[smem:$0x3FB0] =	sst s8  }
0x11: {  	[smem:$0x3FB1] =	sst s9;
	s0 =	simm.s32 @!p0 $0x0  }
0x12: {  	s1 =	sld [smem:$0x3F97];
	s0 =	simm.s32 @p0 $0x1  }
0x13: {  	[smem:$0x3FB2] =	sst s0;
	s0 =	simm.s32 @!p1 $0x0  }
0x14: {  	s2 =	sld [smem:$0x3F96];
	s0 =	simm.s32 @p1 $0x1  }
0x15: {  	[smem:$0x3FB3] =	sst s0;
	s0 =	simm.s32 @!p2 $0x0  }
0x16: {  	s3 =	sld [smem:$0x3FDB];
	s0 =	simm.s32 @p2 $0x1  }
0x17: {  	s4 =	simm.s32 $0x1BF5;
	[smem:$0x3FB5] =	sst s0  }
0x18: {  	s0 =	sld [smem:$0x3F98];
	_ =	swait.ge [sflag:s4], $0x0  }
0x19: {  	s7 =	sld [smem:$0x3F99]  }
0x1a: {  	s8 =	sadd.s32 $0xFFFFE003, lr  }
0x1b: {  	s9 =	sadd.s32 $0xFFFFFEF7, lr;
	s5 =	simm.s32 $0xFFFFFFFF;
	p2 =	slt.u32 s8, $0xFFFFF086  }
0x1c: {  	p1 =	slt.u32 s9, $0xF7A;
	s5 =	simm.s32 @!p2 $0x0  }
0x1d: {  	s5 =	simm.s32 @p1 $0x1;
	p0 =	seq.s32 s7, s2  }
0x1e: {  	s7 =	smul.u32 @!p0 $0xF7A, s2;
	p2 =	seq.s32 @!p0 s5, $0x0  }
0x1f: {  	s9 =	smul.u32 $0xF7A, s1;
	s8 =	simm.s32 @!p0 $0x1BF5;
	p2 =	por !p2, p0  }
0x20: {  	[sflag:s8] =	ssyncset.s32 @!p0 $0xFFFFF086;
	s6 =	sadd.s32 @!p0 s3, s7;
	s7 =	simm.s32 @!p0 $0x108  }
0x21: {  	s3 =	sadd.s32 s3, s9;
	s6 =	sadd.s32 @!p0 $0x88, s6;
	s7 =	simm.s32 @p2 $0x1082  }
0x22: {  	[simem:s7], [sflag:s8] =	dma.local @!p0 [hbm:s6], $0xF7A  }
0x23: {  	s9 =	sor.u32 $0xD0000000, s2;
	s6 =	simm.s32 $0x108;
	_ =	swait.ge @!p0 [sflag:s8], $0x0  }
0x24: {  	s3 =	sadd.s32 $0x88, s3;
	s6 =	simm.s32 @!p1 $0x1082;
	[sflag:s4] =	ssyncset.s32 $0xFFFFF086  }
0x25: {  	[simem:s6], [sflag:s4] =	dma.local [hbm:s3], $0xF7A  }
0x26: {  	[smem:$0x3F99] =	sst s1;
	(tag) =	ssettag s2;
	_ =	strace s9  }
0x27: {  	s1 =	sld [smem:$0x3FA9]  }
0x28: {  	s2 =	sld [smem:$0x3FAA]  }
0x29: {  	s4 =	sld [smem:$0x3FAC]  }
0x2a: {  	p0 =	seq.s32 s5, $0x0;
	s5 =	sld [smem:$0x3FAD]  }
0x2b: {  	s6 =	sld [smem:$0x3FAE]  }
0x2c: {  	s7 =	sld [smem:$0x3FAF]  }
0x2d: {  	s3 =	simm.s32 $0x108;
	s8 =	sld [smem:$0x3FB0]  }
0x2e: {  	s3 =	simm.s32 @!p0 $0x1082;
	s9 =	sld [smem:$0x3FB1]  }
0x2f: {  	lr =	sadd.s32 s0, s3;
	s0 =	sld [smem:$0x3FA8]  }
0x30: {  	s3 =	sld [smem:$0x3FAB]  }
0x31: {  	[smem:$0x3FB4] =	sst s10  }
0x32: {  	s10 =	sld [smem:$0x3FB2];
	_ =	sdelay $0x3  }
0x33: {  	p0 =	seq.s32 s10, $0x1;
	s10 =	sld [smem:$0x3FB4];
	_ =	sdelay $0x3  }
0x34: {  	[smem:$0x3FB4] =	sst s10  }
0x35: {  	s10 =	sld [smem:$0x3FB3];
	_ =	sdelay $0x3  }
0x36: {  	p1 =	seq.s32 s10, $0x1;
	s10 =	sld [smem:$0x3FB4];
	_ =	sdelay $0x3  }
0x37: {  	[smem:$0x3FB4] =	sst s10  }
0x38: {  	s10 =	sld [smem:$0x3FB5]  }
0x39: {  	_ = 	snop;
	(pc) =	sbr.ind lr, $3  }
0x3a: {  	_ = 	snop  }
0x3b: {  	_ = 	snop  }
0x3c: {  	p2 =	seq.s32 s10, $0x1;
	s10 =	sld [smem:$0x3FB4]  }
0x3d: {  	_ =	shalt  }
0x3e: {  	_ =	shalt  }
0x3f: {  	_ =	shalt  }
0x40: {  	_ =	shalt  }
0x41: {  	_ =	shalt  }
0x42: {  	_ =	shalt  }
0x43: {  	_ =	shalt  }
0x44: {  	_ =	shalt  }
0x45: {  	_ =	shalt  }
0x46: {  	_ =	shalt  }
0x47: {  	_ =	shalt  }
0x48: {  	_ =	shalt  }
0x49: {  	_ =	shalt  }
0x4a: {  	_ =	shalt  }
0x4b: {  	_ =	shalt  }
0x4c: {  	_ =	shalt  }
0x4d: {  	_ =	shalt  }
0x4e: {  	_ =	shalt  }
0x4f: {  	_ =	shalt  }
0x50: {  	_ =	shalt  }
0x51: {  	_ =	shalt  }
0x52: {  	_ =	shalt  }
0x53: {  	_ =	shalt  }
0x54: {  	_ =	shalt  }
0x55: {  	_ =	shalt  }
0x56: {  	_ =	shalt  }
0x57: {  	_ =	shalt  }
0x58: {  	_ =	shalt  }
0x59: {  	_ =	shalt  }
0x5a: {  	_ =	shalt  }
0x5b: {  	_ =	shalt  }
0x5c: {  	_ =	shalt  }
0x5d: {  	_ =	shalt  }
0x5e: {  	_ =	shalt  }
0x5f: {  	_ =	shalt  }
0x60: {  	_ =	shalt  }
0x61: {  	_ =	shalt  }
0x62: {  	_ =	shalt  }
0x63: {  	_ =	shalt  }
0x64: {  	_ =	shalt  }
0x65: {  	_ =	shalt  }
0x66: {  	_ =	shalt  }
0x67: {  	_ =	shalt  }
0x68: {  	_ =	shalt  }
0x69: {  	_ =	shalt  }
0x6a: {  	_ =	shalt  }
0x6b: {  	_ =	shalt  }
0x6c: {  	_ =	shalt  }
0x6d: {  	_ =	shalt  }
0x6e: {  	_ =	shalt  }
0x6f: {  	_ =	shalt  }
0x70: {  	_ =	shalt  }
0x71: {  	_ =	shalt  }
0x72: {  	_ =	shalt  }
0x73: {  	_ =	shalt  }
0x74: {  	_ =	shalt  }
0x75: {  	_ =	shalt  }
0x76: {  	_ =	shalt  }
0x77: {  	_ =	shalt  }
0x78: {  	_ =	shalt  }
0x79: {  	_ =	shalt  }
0x7a: {  	_ =	shalt  }
0x7b: {  	_ =	shalt  }
0x7c: {  	_ =	shalt  }
0x7d: {  	_ =	shalt  }
0x7e: {  	_ =	shalt  }
0x7f: {  	_ =	shalt  }
0x80: {  	_ =	shalt  }
0x81: {  	_ =	shalt  }
0x82: {  	_ =	shalt  }
0x83: {  	_ =	shalt  }
0x84: {  	_ =	shalt  }
0x85: {  	_ =	shalt  }
0x86: {  	_ =	shalt  }
0x87: {  	_ =	shalt  }
.Lfunc_end0:
.L_simem_size_0:
called_computation_lowered:
.L_overlay_start_0:
0x88: {  	s2 =	sld [smem:$0x3FD9]  }
0x89: {  	s3 =	sld [smem:$0x3FFE];
	_ =	sdelay $0x1  }
0x8a: {  	s1 =	srdreg.scid  }
0x8b: {  	s0 =	sand.u32 $0x1, s1  }
0x8c: {  	s17 =	sshll.u32 s0, $0xA;
	s2 =	sadd.s32 s3, s2  }
0x8d: {  	s2 =	sadd.s32 s2, s17  }
0x8e: {  	[smem:$0x3FC0] =	sst s2  }
0x8f: {  	_ = 	snop  }
0x90: {  	s2 =	sld [smem:$0x3FC9]  }
0x91: {  	s18 =	sld [smem:$0x3FC8]  }
0x92: {  	s4 =	sld [smem:$0x3FC5]  }
0x93: {  	s5 =	sld [smem:$0x3FC4];
	(tm) =	ssettm $0x1  }
0x94: {  	s6 =	sld [smem:$0x3FFB];
	_ =	sdelay $0x3  }
0x95: {  	_ =	strace s6  }
0x96: {  	s6 =	sld [smem:$0x3FFC];
	_ =	sdelay $0x3  }
0x97: {  	_ =	strace s6  }
0x98: {  	s6 =	sld [smem:$0x3FFD];
	_ =	sdelay $0x3  }
0x99: {  	_ =	strace s6  }
0x9a: {  	_ =	strace $0x8FFFFFFF  }
0x9b: {  	s19 =	sld [smem:$0x3FDB];
	_ =	sdelay $0x1  }
0x9c: {  	s7 =	simm.s32 $_scs_section_size  }
0x9d: {  	s8 =	simm.s32 $_size__tile_overlayer_lowered;
	s9 =	simm.s32 $_tile_overlayer_lowered  }
0x9e: {  	s22 =	simm.s32 $0x1BFF;
	s21 =	sshll.u32 s9, $0x1;
	s6 =	sadd.s32 s7, s19  }
0x9f: {  	s10 =	simm.s32 $0x0;
	s20 =	sshll.u32 s8, $0x1;
	s8 =	sadd.s32 s21, s6  }
0xa0: {  	[timem:s10], [sflag:s22] =	dma.local [hbm:s8], s20  }
0xa1: {  	_ =	swait.ge [sflag:s22], s20  }
0xa2: {  	s7 =	ssub.s32 $0x0, s20;
	[sflag:s22] =	ssyncset.done $0x0  }
0xa3: {  	[sflag:s22] =	ssyncadd.s32 s7;
	_ =	sdelay $0x1  }
0xa4: {  	s23 =	simm.s32 $0x1B8B  }
0xa5: {  	_ =	swait.ge [sflag:s23], $0x1  }
0xa6: {  	[sflag:s23] =	ssyncset.done $0x0  }
0xa7: {  	s25 =	simm.s32 $0x1B8E;
	s24 =	sld [smem:$0x3FFE];
	[sflag:s23] =	ssyncadd.s32 $0xFFFFFFFF  }
0xa8: {  	s26 =	simm.s32 $execute0_lowered;
	[smem:$0x3FD2] =	sst s25  }
0xa9: {  	s8 =	sshll.u32 s26, $0x1;
	_ =	strace $0x80000046;
	[dreg:$0x1] =	wrdreg $0xFFFFFFFF  }
0xaa: {  	s28 =	simm.s32 $_size_execute0_lowered;
	s6 =	sadd.s32 s6, s8;
	[dreg:$0x0] =	wrdreg $0x0  }
0xab: {  	s8 =	sshll.u32 s28, $0x1;
	[dreg:$0x2] =	wrdreg s6  }
0xac: {  	[dreg:$0x3] =	wrdreg s8  }
0xad: {  	[dreg:$0x4] =	wrdreg $0xC0  }
0xae: {  	_ =	task [dreg:s10], $0x5FFFF  }
0xaf: {  	[dreg:$0x1] =	wrdreg $0xFFFFFFFF  }
0xb0: {  	[dreg:$0x0] =	wrdreg $0x60  }
0xb1: {  	[dreg:$0x2] =	wrdreg s2  }
0xb2: {  	[dreg:$0x3] =	wrdreg s18  }
0xb3: {  	[dreg:$0x4] =	wrdreg s4  }
0xb4: {  	[dreg:$0x5] =	wrdreg s5  }
0xb5: {  	[dreg:$0x6] =	wrdreg s24  }
0xb6: {  	[dreg:$0x7] =	wrdreg $0x9  }
0xb7: {  	_ =	task.clear_ibuf [dreg:s10], $0x8FFFF;
	_ =	strace $0x90000046  }
0xb8: {  	s29 =	simm.s32 $0x9;
	_ =	strace $0x80000048  }
0xb9: {  	_ =	swait.ge [sflag:s29], $0x1  }
0xba: {  	[sflag:s29] =	ssyncadd.s32 $0xFFFFFFFF  }
0xbb: {  	_ =	strace $0x90000048  }
0xbc: {  	_ =	sfence  }
0xbd: {  	s30 =	sld [smem:$0x0];
	_ =	sdelay $0x2  }
0xbe: {  	s31 =	sshll.u32 s1, $0xD;
	s1 =	sshrl.u32 s1, $0x2  }
0xbf: {  	s3 =	sand.u32 $0x4000, s31;
	s1 =	sadd.s32 s1, s30  }
0xc0: {  	s0 =	sor.u32 s3, s0;
	s1 =	sshll.u32 s1, $0x11  }
0xc1: {  	s0 =	sor.u32 s1, s0  }
0xc2: {  	s0 =	sadd.s32 $0x8F2B, s0  }
0xc3: {  	[sflag:s0] =	ssyncadd.remote.s32 $0x1  }
0xc4: {  	_ =	sfence.sel $0xFFFF  }
0xc5: {  	[dreg:$0x0] =	wrdreg $0xFFFFFFFF;
	(pc) =	sbr.abs _section_cstart, $3  }
0xc6: {  	[dreg:$0x1] =	wrdreg $0xFFFFFFFF  }
0xc7: {  	_ =	task.clear_ibuf [dreg:s10], $0x2FFFF;
	_ =	strace $0x9FFFFFFF  }
0xc8: {  	(tm) =	ssettm $0x7FFFFFFF  }
0xc9: {  	_ =	shalt  }
tec
execute0_lowered:
.L_overlay_start_1:
0x0: {  	(tag) =	ssettag $0x1  }
0x1: {  	s7 =	rddreg [dreg:$0x0]  }
0x2: {  	s8 =	rddreg [dreg:$0x1]  }
0x3: {  	s1 =	rddreg [dreg:$0x2]  }
0x4: {  	s2 =	rddreg [dreg:$0x3]  }
0x5: {  	s9 =	rddreg [dreg:$0x4]  }
0x6: {  	s0 =	rddreg [dreg:$0x5];
	s4 =	simm.s32 $0x0;
	s5 =	srdreg.scid  }
0x7: {  	s3 =	stileid.u32;
	s15 =	simm.s32 $0x200;
	s16 =	simm.s32 $0x1200  }
0x8: {  	s17 =	simm.s32 $0x100;
	s18 =	simm.s32 $0x2200;
	s19 =	simm.s32 $0x180  }
0x9: {  	s20 =	simm.s32 $0x3200;
	s21 =	simm.s32 $0x1;
	s22 =	simm.s32 $0x2  }
0xa: {  	s23 =	simm.s32 $0x4200;
	s24 =	simm.s32 $0x4;
	s25 =	simm.s32 $0x5200  }
0xb: {  	s26 =	simm.s32 $0x0;
	[smem:$0x7FF] =	sst s4;
	s10 =	sand.u32 $0x1, s5  }
0xc: {  	s11 =	sshll.u32 s3, $0x6;
	s5 =	sadd.s32 $0x3A00, s9;
	s12 =	sshll.u32 s10, $0x5  }
0xd: {  	s6 =	sadd.s32 $0x800, s9;
	s10 =	ssub.s32 $0x2, s10;
	s11 =	sor.u32 s12, s11  }
0xe: {  	v0 =	vlaneseq.u32;
	_ =	strace $0x80000047;
	s31 =	sshrl.u32 s10, $0x1;
	s12 =	sshll.u32 s11, $0x4  }
0xf: {  	v0 =	vmul.u32 $0x80, v0;
	s11 =	sshrl.u32 s11, $0x3;
	s14 =	ssub.s32 s10, s31;
	s12 =	sadd.s32 s12, s9  }
0x10: {  	s13 =	sadd.s32 s11, s9;
	s7 =	sadd.s32 s7, s11;
	s8 =	sadd.s32 s8, s11  }
0x11: {  	[tilespmem:$0x1FFE0] =	vst v0;
	v0 =	vor.u32 $0x800, v0;
	s11 =	smax.u32 s14, $0x1;
	s14 =	simm.s32 $0x20;
	s9 =	sadd.s32 $0x6C00, s12  }
0x12: {  	[tilespmem:$0x1FFF0] =	vst v0;
	s10 =	sadd.s32 $0xAC00, s13;
	s12 =	simm.s32 $0x80;
	s13 =	simm.s32 $0x3  }
.LBB2_1:
0x13: {  	[tilespmem:s4], [sflag:$0x3] =	stream.linear.gather [hbm4b:s7+s4], $0x20, $0x38;
	[tilespmem:$0x5280] =	vst v63  }
0x14: {  	_ = 	snop  }
0x15: {  	[tilespmem:s12], [sflag:$0x3] =	stream.linear.gather [hbm4b:s8+s4], $0x20, $0x38;
	[tilespmem:$0x5280] =	vst v63  }
0x16: {  	_ =	swait.ge [sflag:s13], $0x20  }
0x17: {  	[sflag:s13] =	ssyncset.done $0x0  }
0x18: {  	[sflag:s13] =	ssyncadd.s32 $0xFFFFFFE0  }
0x19: {  	_ =	swait.ge [sflag:s13], $0x20  }
0x1a: {  	[sflag:s13] =	ssyncset.done $0x0  }
0x1b: {  	[sflag:s13] =	ssyncadd.s32 $0xFFFFFFE0  }
0x1c: {  	[tilespmem:s15], [sflag:$0x1] =	stream.indirect.gather [hbm4b:s1+s14], $0x80, s4, s14, $0xb8;
	[tilespmem:$0x5280] =	vst v63  }
0x1d: {  	_ = 	snop  }
0x1e: {  	[tilespmem:s16], [sflag:$0x1] =	stream.indirect.gather [hbm4b:s2+s14], $0x80, s12, s14, $0xb8;
	[tilespmem:$0x5280] =	vst v63  }
0x1f: {  	v2 =	vld [tilespmem:$0x0]  }
0x20: {  	v3 =	vld [tilespmem:$0x80]  }
0x21: {  	v4 =	vld [tilespmem:$0x10]  }
0x22: {  	v5 =	vld [tilespmem:$0x90];
	_ =	sdelay $0x1  }
0x23: {  	v2 =	vshra.s32 v2, $0x7  }
0x24: {  	[tilespmem:$0x100] =	vst v2;
	v2 =	vshra.s32 v3, $0x7  }
0x25: {  	[tilespmem:$0x180] =	vst v2;
	v2 =	vshra.s32 v4, $0x7  }
0x26: {  	[tilespmem:$0x110] =	vst v2;
	v2 =	vshra.s32 v5, $0x7  }
0x27: {  	[tilespmem:$0x190] =	vst v2  }
0x28: {  	[tilespmem:s18], [sflag:$0x2] =	stream.indirect.gather [hbm4b:s5+s14], $0x80, s17, s14, $0xb8;
	[tilespmem:$0x5280] =	vst v63  }
0x29: {  	_ = 	snop  }
0x2a: {  	[tilespmem:s20], [sflag:$0x2] =	stream.indirect.gather [hbm4b:s6+s14], $0x80, s19, s14, $0xb8;
	[tilespmem:$0x5280] =	vst v63  }
0x2b: {  	_ =	swait.ge [sflag:s21], $0x1000  }
0x2c: {  	[sflag:s21] =	ssyncset.done $0x0  }
0x2d: {  	[sflag:s21] =	ssyncadd.s32 $0xFFFFF000  }
0x2e: {  	_ =	swait.ge [sflag:s21], $0x1000  }
0x2f: {  	[sflag:s21] =	ssyncset.done $0x0  }
0x30: {  	s30 =	simm.s32 $0x400;
	[sflag:s21] =	ssyncadd.s32 $0xFFFFF000  }
0x31: {  	v0 =	vld [tilespmem:s30+$0x1E0];
	_ =	sdelay $0x4  }
0x32: {  	s28 =	simm.s32 $0x1400;
	[tilespmem:$0x1FE80] =	vst v0  }
0x33: {  	v0 =	vld [tilespmem:s28+$0x1E0];
	_ =	sdelay $0x4  }
0x34: {  	[tilespmem:$0x1FE90] =	vst v0  }
0x35: {  	v0 =	vld [tilespmem:s30+$0x1C0];
	_ =	sdelay $0x4  }
0x36: {  	[tilespmem:$0x1FE60] =	vst v0  }
0x37: {  	v0 =	vld [tilespmem:s28+$0x1C0];
	_ =	sdelay $0x4  }
0x38: {  	[tilespmem:$0x1FE70] =	vst v0  }
0x39: {  	v7 =	vld [tilespmem:s30+$0x180]  }
0x3a: {  	v8 =	vld [tilespmem:s28+$0x180]  }
0x3b: {  	v9 =	vld [tilespmem:s30+$0x190]  }
0x3c: {  	v10 =	vld [tilespmem:s28+$0x190]  }
0x3d: {  	v11 =	vld [tilespmem:s30+$0x1A0]  }
0x3e: {  	v12 =	vld [tilespmem:s28+$0x1A0]  }
0x3f: {  	v13 =	vld [tilespmem:s30+$0x1B0]  }
0x40: {  	v0 =	vld [tilespmem:s28+$0xFFFFFE00]  }
0x41: {  	v14 =	vld [tilespmem:s28+$0x1B0]  }
0x42: {  	v15 =	vld [tilespmem:s30+$0x1D0]  }
0x43: {  	v16 =	vld [tilespmem:s28+$0x1D0]  }
0x44: {  	v17 =	vld [tilespmem:s30+$0x1F0]  }
0x45: {  	v18 =	vld [tilespmem:s28+$0x1F0];
	[tilespmem:$0x1FEA0] =	vst v0  }
0x46: {  	v19 =	vld [tilespmem:s30+$0xFFFFFE10]  }
0x47: {  	v20 =	vld [tilespmem:s28+$0xFFFFFE10]  }
0x48: {  	v21 =	vld [tilespmem:s30+$0xFFFFFE20]  }
0x49: {  	v22 =	vld [tilespmem:s28+$0xFFFFFE20]  }
0x4a: {  	v23 =	vld [tilespmem:s30+$0xFFFFFE30]  }
0x4b: {  	v24 =	vld [tilespmem:s28+$0xFFFFFE30]  }
0x4c: {  	v25 =	vld [tilespmem:s30+$0xFFFFFE80]  }
0x4d: {  	v26 =	vld [tilespmem:s28+$0xFFFFFE80]  }
0x4e: {  	v27 =	vld [tilespmem:s30+$0xFFFFFE90]  }
0x4f: {  	v28 =	vld [tilespmem:s28+$0xFFFFFE90]  }
0x50: {  	v29 =	vld [tilespmem:s30+$0xFFFFFEA0]  }
0x51: {  	v30 =	vld [tilespmem:s28+$0xFFFFFEA0]  }
0x52: {  	v31 =	vld [tilespmem:s30+$0xFFFFFEB0]  }
0x53: {  	v32 =	vld [tilespmem:s28+$0xFFFFFEB0]  }
0x54: {  	v33 =	vld [tilespmem:s30+$0xFFFFFF00]  }
0x55: {  	v34 =	vld [tilespmem:s28+$0xFFFFFF00]  }
0x56: {  	v35 =	vld [tilespmem:s30+$0xFFFFFF10]  }
0x57: {  	v36 =	vld [tilespmem:s28+$0xFFFFFF10]  }
0x58: {  	v37 =	vld [tilespmem:s30+$0xFFFFFF20]  }
0x59: {  	v38 =	vld [tilespmem:s28+$0xFFFFFF20]  }
0x5a: {  	v39 =	vld [tilespmem:s30+$0xFFFFFF30]  }
0x5b: {  	v40 =	vld [tilespmem:s28+$0xFFFFFF30]  }
0x5c: {  	v41 =	vld [tilespmem:s30+$0xFFFFFF80]  }
0x5d: {  	v42 =	vld [tilespmem:s28+$0xFFFFFF80]  }
0x5e: {  	v43 =	vld [tilespmem:s30+$0xFFFFFF90]  }
0x5f: {  	v44 =	vld [tilespmem:s28+$0xFFFFFF90]  }
0x60: {  	v45 =	vld [tilespmem:s30+$0xFFFFFFA0]  }
0x61: {  	v46 =	vld [tilespmem:s28+$0xFFFFFFA0]  }
0x62: {  	v47 =	vld [tilespmem:s30+$0xFFFFFFB0]  }
0x63: {  	v48 =	vld [tilespmem:s28+$0xFFFFFFB0]  }
0x64: {  	v49 =	vld [tilespmem:s30+$0x0]  }
0x65: {  	v50 =	vld [tilespmem:s28+$0x0]  }
0x66: {  	v51 =	vld [tilespmem:s30+$0x10]  }
0x67: {  	v52 =	vld [tilespmem:s28+$0x10]  }
0x68: {  	v53 =	vld [tilespmem:s30+$0x20]  }
0x69: {  	v54 =	vld [tilespmem:s28+$0x20]  }
0x6a: {  	v55 =	vld [tilespmem:s30+$0x30]  }
0x6b: {  	v56 =	vld [tilespmem:s28+$0x30]  }
0x6c: {  	v57 =	vld [tilespmem:s30+$0x80]  }
0x6d: {  	v58 =	vld [tilespmem:s28+$0x80]  }
0x6e: {  	v59 =	vld [tilespmem:s30+$0x90]  }
0x6f: {  	v60 =	vld [tilespmem:s28+$0x90]  }
0x70: {  	v61 =	vld [tilespmem:s30+$0xA0]  }
0x71: {  	v0 =	vld [tilespmem:s30+$0x110]  }
0x72: {  	v62 =	vld [tilespmem:s28+$0xA0]  }
0x73: {  	v63 =	vld [tilespmem:s30+$0xB0]  }
0x74: {  	v3 =	vld [tilespmem:s28+$0xB0]  }
0x75: {  	v5 =	vld [tilespmem:s30+$0x100]  }
0x76: {  	v4 =	vld [tilespmem:s28+$0x100];
	[tilespmem:$0x1FEB0] =	vst v0  }
0x77: {  	v0 =	vld [tilespmem:s28+$0x110];
	_ =	sdelay $0x4  }
0x78: {  	[tilespmem:$0x1FEC0] =	vst v0  }
0x79: {  	v2 =	vld [tilespmem:s30+$0x130];
	_ =	sdelay $0x3  }
0x7a: {  	v1 =	vld [tilespmem:s30+$0x120]  }
0x7b: {  	v0 =	vld [tilespmem:s28+$0x120];
	[tilespmem:$0x1FED0] =	vst v2  }
0x7c: {  	v2 =	vld [tilespmem:s28+$0x130];
	_ =	sdelay $0x4  }
0x7d: {  	[tilespmem:$0x1FEE0] =	vst v2  }
0x7e: {  	v6 =	vld [tilespmem:s30+$0xFFFFFE40];
	_ =	sdelay $0x4  }
0x7f: {  	v2 =	vld [tilespmem:s30+$0xFFFFFE00];
	[tilespmem:$0x1FEF0] =	vst v6  }
0x80: {  	v6 =	vld [tilespmem:s28+$0xFFFFFE40];
	_ =	sdelay $0x4  }
0x81: {  	[tilespmem:$0x1FF00] =	vst v6  }
0x82: {  	v6 =	vld [tilespmem:s30+$0xFFFFFE50];
	_ =	sdelay $0x4  }
0x83: {  	[tilespmem:$0x1FF10] =	vst v6  }
0x84: {  	v6 =	vld [tilespmem:s28+$0xFFFFFE50];
	_ =	sdelay $0x4  }
0x85: {  	[tilespmem:$0x1FF20] =	vst v6  }
0x86: {  	v6 =	vld [tilespmem:s30+$0xFFFFFEC0];
	_ =	sdelay $0x4  }
0x87: {  	[tilespmem:$0x1FF30] =	vst v6  }
0x88: {  	v6 =	vld [tilespmem:s28+$0xFFFFFEC0];
	_ =	sdelay $0x4  }
0x89: {  	[tilespmem:$0x1FF40] =	vst v6  }
0x8a: {  	v6 =	vld [tilespmem:s30+$0xFFFFFED0];
	_ =	sdelay $0x4  }
0x8b: {  	[tilespmem:$0x1FF50] =	vst v6  }
0x8c: {  	v6 =	vld [tilespmem:s28+$0xFFFFFED0];
	_ =	sdelay $0x4  }
0x8d: {  	[tilespmem:$0x1FF60] =	vst v6  }
0x8e: {  	v6 =	vld [tilespmem:s30+$0xFFFFFF40];
	_ =	sdelay $0x4  }
0x8f: {  	[tilespmem:$0x1FF70] =	vst v6  }
0x90: {  	v6 =	vld [tilespmem:s28+$0xFFFFFF40];
	_ =	sdelay $0x4  }
0x91: {  	[tilespmem:$0x1FF80] =	vst v6  }
0x92: {  	v6 =	vld [tilespmem:s30+$0xFFFFFF50];
	_ =	sdelay $0x4  }
0x93: {  	[tilespmem:$0x1FF90] =	vst v6  }
0x94: {  	v6 =	vld [tilespmem:s28+$0xFFFFFF50]  }
0x95: {  	v9 =	vmul.f32 v10, v9;
	v10 =	vmul.f32 v14, v13;
	_ =	sdelay $0x1  }
0x96: {  	v9 =	vadd.f32 v10, v9;
	v10 =	vmul.f32 v16, v15;
	v49 =	vmul.f32 v50, v49  }
0x97: {  	v50 =	vmul.f32 v52, v51;
	v52 =	vmul.f32 v56, v55;
	v56 =	vld [tilespmem:$0x1FEA0]  }
0x98: {  	v13 =	vld [tilespmem:$0x1FE70];
	[tilespmem:$0x1FFA0] =	vst v6  }
0x99: {  	v9 =	vadd.f32 v10, v9;
	v10 =	vmul.f32 v18, v17;
	v6 =	vld [tilespmem:s30+$0xFFFFFFC0]  }
0x9a: {  	v14 =	vld [tilespmem:$0x1FE80]  }
0x9b: {  	v15 =	vld [tilespmem:$0x1FE90];
	v9 =	vadd.f32 v10, v9;
	v10 =	vmul.f32 v22, v21;
	v51 =	vmul.f32 v54, v53  }
0x9c: {  	v53 =	vmul.f32 v58, v57;
	v57 =	vld [tilespmem:$0x1FEB0];
	v2 =	vmul.f32 v56, v2  }
0x9d: {  	v58 =	vld [tilespmem:$0x1FEC0]  }
0x9e: {  	v2 =	vadd.f32 v10, v2;
	v10 =	vld [tilespmem:$0x1FEF0];
	[tilespmem:$0x1FFB0] =	vst v6  }
0x9f: {  	v4 =	vmul.f32 v4, v5;
	v0 =	vmul.f32 v0, v1;
	v6 =	vld [tilespmem:s28+$0xFFFFFFC0]  }
0xa0: {  	v54 =	vmul.f32 v60, v59;
	v60 =	vld [tilespmem:$0x1FF00]  }
0xa1: {  	v0 =	vadd.f32 v0, v4;
	v4 =	vld [tilespmem:$0x1FED0]  }
0xa2: {  	v59 =	vld [tilespmem:$0x1FEE0]  }
0xa3: {  	v55 =	vmul.f32 v62, v61;
	v61 =	vld [tilespmem:$0x1FF10]  }
0xa4: {  	v62 =	vld [tilespmem:$0x1FF20];
	[tilespmem:$0x1FFC0] =	vst v6  }
0xa5: {  	v10 =	vmul.f32 v60, v10;
	v6 =	vld [tilespmem:s30+$0xFFFFFFD0]  }
0xa6: {  	v46 =	vmul.f32 v46, v45;
	v45 =	vld [tilespmem:$0x1FF50]  }
0xa7: {  	v10 =	vadd.f32 v10, v2;
	v2 =	vld [tilespmem:$0x1FF70]  }
0xa8: {  	v22 =	vadd.f32 v51, v49;
	v51 =	vld [tilespmem:$0x1FFA0]  }
0xa9: {  	v5 =	vadd.f32 v55, v53;
	v53 =	vld [tilespmem:$0x1FFC0]  }
0xaa: {  	[tilespmem:$0x1FFD0] =	vst v6;
	v6 =	vld [tilespmem:$0x1FE60]  }
0xab: {  	v7 =	vmul.f32 v8, v7;
	v8 =	vmul.f32 v12, v11;
	v11 =	vld [tilespmem:s28+$0xFFFFFFD0]  }
0xac: {  	v12 =	vld [tilespmem:s30+$0x40]  }
0xad: {  	v7 =	vadd.f32 v8, v7;
	v8 =	vld [tilespmem:s28+$0x40]  }
0xae: {  	v14 =	vmul.f32 v15, v14;
	v15 =	vld [tilespmem:s30+$0xC0]  }
0xaf: {  	v16 =	vld [tilespmem:s28+$0xC0]  }
0xb0: {  	v18 =	vld [tilespmem:s30+$0xD0]  }
0xb1: {  	v21 =	vld [tilespmem:s28+$0xD0]  }
0xb2: {  	v24 =	vmul.f32 v24, v23;
	v23 =	vld [tilespmem:s30+$0x140]  }
0xb3: {  	v32 =	vmul.f32 v32, v31;
	v31 =	vld [tilespmem:s30+$0xFFFFFE60]  }
0xb4: {  	v34 =	vmul.f32 v34, v33;
	v33 =	vld [tilespmem:s28+$0xFFFFFE60]  }
0xb5: {  	v36 =	vmul.f32 v36, v35;
	v38 =	vmul.f32 v38, v37;
	v35 =	vld [tilespmem:s30+$0xFFFFFE70]  }
0xb6: {  	v37 =	vld [tilespmem:s28+$0xFFFFFE70]  }
0xb7: {  	v17 =	vadd.f32 v38, v34;
	v38 =	vld [tilespmem:s30+$0xFFFFFEE0]  }
0xb8: {  	v1 =	vld [tilespmem:s28+$0xFFFFFEE0]  }
0xb9: {  	v34 =	vld [tilespmem:s28+$0xFFFFFEF0]  }
0xba: {  	v3 =	vmul.f32 v3, v63;
	v63 =	vld [tilespmem:s30+$0xFFFFFF60]  }
0xbb: {  	v48 =	vmul.f32 v48, v47;
	v47 =	vld [tilespmem:s28+$0xFFFFFF60];
	v6 =	vmul.f32 v13, v6  }
0xbc: {  	v49 =	vld [tilespmem:s30+$0xFFFFFF70]  }
0xbd: {  	v3 =	vadd.f32 v3, v54;
	v54 =	vld [tilespmem:$0x1FFD0];
	v6 =	vadd.f32 v6, v7  }
0xbe: {  	v44 =	vmul.f32 v44, v43;
	v55 =	vld [tilespmem:s30+$0xFFFFFFE0]  }
0xbf: {  	v4 =	vmul.f32 v59, v4;
	v59 =	vld [tilespmem:s30+$0x60];
	v6 =	vadd.f32 v14, v6  }
0xc0: {  	v14 =	vmul.f32 v20, v19;
	v20 =	vmul.f32 v28, v27;
	v28 =	vadd.f32 v48, v44;
	v48 =	vld [tilespmem:$0x1FF80]  }
0xc1: {  	v60 =	vld [tilespmem:s28+$0x60]  }
0xc2: {  	v13 =	vld [tilespmem:s30+$0x50]  }
0xc3: {  	v7 =	vld [tilespmem:s28+$0x50];
	v9 =	vadd.f32 v9, v6;
	v6 =	vmul.f32 v30, v29;
	v30 =	vmul.f32 v58, v57  }
0xc4: {  	v42 =	vmul.f32 v42, v41;
	v19 =	vmul.f32 v26, v25;
	v44 =	vld [tilespmem:$0x1FF40]  }
0xc5: {  	v30 =	vadd.f32 v4, v30;
	v4 =	vld [tilespmem:$0x1FF30];
	v2 =	vmul.f32 v48, v2  }
0xc6: {  	v6 =	vadd.f32 v6, v19;
	v19 =	vadd.f32 v46, v42;
	v46 =	vld [tilespmem:$0x1FF60]  }
0xc7: {  	v40 =	vmul.f32 v40, v39;
	v8 =	vmul.f32 v8, v12;
	v17 =	vadd.f32 v2, v17;
	v2 =	vld [tilespmem:$0x1FFB0]  }
0xc8: {  	v26 =	vld [tilespmem:s30+$0xFFFFFEF0];
	v20 =	vadd.f32 v32, v20;
	v32 =	vadd.f32 v52, v50;
	v7 =	vmul.f32 v7, v13  }
0xc9: {  	v11 =	vmul.f32 v11, v54;
	v12 =	vld [tilespmem:s28+$0xFFFFFFE0];
	v1 =	vmul.f32 v1, v38;
	v56 =	vadd.f32 v8, v22  }
0xca: {  	v14 =	vadd.f32 v24, v14;
	v50 =	vld [tilespmem:$0x1FF90];
	v57 =	vadd.f32 v7, v32;
	v7 =	vmul.f32 v21, v18  }
0xcb: {  	v8 =	vld [tilespmem:s28+$0xFFFFFFF0];
	v24 =	vadd.f32 v40, v36;
	v4 =	vmul.f32 v44, v4;
	v40 =	vmul.f32 v46, v45  }
0xcc: {  	v36 =	vmul.f32 v62, v61;
	v52 =	vld [tilespmem:s28+$0xFFFFFF70];
	v3 =	vadd.f32 v7, v3;
	v2 =	vmul.f32 v53, v2  }
0xcd: {  	v25 =	vld [tilespmem:s28+$0x140];
	v7 =	vmul.f32 v34, v26;
	v4 =	vadd.f32 v4, v6;
	v6 =	vadd.f32 v40, v20  }
0xce: {  	v27 =	vld [tilespmem:s30+$0x150];
	v58 =	vmul.f32 v37, v35;
	v13 =	vadd.f32 v2, v19;
	v2 =	vmul.f32 v16, v15  }
0xcf: {  	v20 =	vmul.f32 v51, v50;
	v1 =	vadd.f32 v1, v4;
	v4 =	vadd.f32 v7, v6;
	v15 =	vld [tilespmem:s30+$0xFFFFFFF0]  }
0xd0: {  	v29 =	vld [tilespmem:s28+$0x150];
	v14 =	vadd.f32 v36, v14;
	v2 =	vadd.f32 v2, v5;
	v5 =	vmul.f32 v33, v31  }
0xd1: {  	v61 =	vld [tilespmem:s28+$0x70];
	v20 =	vadd.f32 v20, v24;
	v7 =	vmul.f32 v52, v49;
	v1 =	vadd.f32 v4, v1  }
0xd2: {  	v4 =	vmul.f32 v12, v55;
	v5 =	vadd.f32 v5, v10;
	v10 =	vadd.f32 v58, v14;
	v14 =	vld [tilespmem:s30+$0x70]  }
0xd3: {  	v11 =	vadd.f32 v11, v28;
	v62 =	vld [tilespmem:s30+$0xE0];
	v6 =	vmul.f32 v47, v63  }
0xd4: {  	s29 =	simm.s32 $0x4400;
	v12 =	vadd.f32 v7, v20;
	v4 =	vadd.f32 v4, v13;
	v8 =	vmul.f32 v8, v15;
	v15 =	vld [tilespmem:s28+$0xE0]  }
0xd5: {  	[tilespmem:s29+$0x180] =	vst v9;
	v7 =	vld [tilespmem:s28+$0xF0];
	v13 =	vmul.f32 v29, v27;
	v5 =	vadd.f32 v10, v5;
	v10 =	vadd.f32 v6, v17  }
0xd6: {  	[tilespmem:s29+$0xFFFFFE80] =	vst v1;
	v1 =	vmul.f32 v60, v59;
	v6 =	vld [tilespmem:s30+$0xF0];
	v9 =	vadd.f32 v8, v11;
	v11 =	vmul.f32 v25, v23  }
0xd7: {  	v8 =	vld [tilespmem:s30+$0x160];
	[tilespmem:s29+$0xFFFFFE00] =	vst v5;
	v10 =	vadd.f32 v12, v10;
	v5 =	vadd.f32 v13, v30;
	v14 =	vmul.f32 v61, v14  }
0xd8: {  	v12 =	vadd.f32 v1, v56;
	v63 =	vadd.f32 v9, v4;
	v9 =	vld [tilespmem:s28+$0x160]  }
0xd9: {  	v4 =	vadd.f32 v11, v0;
	v11 =	vld [tilespmem:s28+$0x170];
	[tilespmem:s29+$0xFFFFFF00] =	vst v10;
	v13 =	vmul.f32 v15, v62;
	v14 =	vadd.f32 v14, v57  }
0xda: {  	s31 =	simm.s32 $0x800;
	v10 =	vld [tilespmem:s30+$0x170];
	s30 =	simm.s32 $0x0;
	[tilespmem:s29+$0xFFFFFF80] =	vst v63  }
.LBB2_2:
0xdb: {  	v0 =	vld [tilespmem:s31+$0x1E0];
	v1 =	vadd.f32 v14, v12;
	v2 =	vadd.f32 v13, v2;
	v6 =	vmul.f32 v7, v6;
	s28 =	sadd.s32 $0x400, s28  }
0xdc: {  	v7 =	vld [tilespmem:s28+$0x1E0]  }
0xdd: {  	v12 =	vld [tilespmem:s31+$0x1C0];
	[tilespmem:s29+$0x0] =	vst v1;
	v1 =	vadd.f32 v6, v3;
	v3 =	vmul.f32 v9, v8  }
0xde: {  	v6 =	vld [tilespmem:s28+$0x1C0]  }
0xdf: {  	v8 =	vld [tilespmem:s31+$0x180];
	v1 =	vadd.f32 v1, v2;
	v2 =	vadd.f32 v3, v4;
	v3 =	vmul.f32 v11, v10  }
0xe0: {  	v4 =	vld [tilespmem:s28+$0x180]  }
0xe1: {  	v9 =	vld [tilespmem:s31+$0x190];
	[tilespmem:s29+$0x80] =	vst v1;
	v1 =	vadd.f32 v3, v5  }
0xe2: {  	v3 =	vld [tilespmem:s28+$0x190]  }
0xe3: {  	v5 =	vld [tilespmem:s31+$0x1A0];
	v1 =	vadd.f32 v1, v2  }
0xe4: {  	v10 =	vld [tilespmem:s28+$0x1A0]  }
0xe5: {  	v11 =	vld [tilespmem:s31+$0x1B0];
	[tilespmem:s29+$0x100] =	vst v1  }
0xe6: {  	s30 =	sadd.s32 $0x8, s30;
	v1 =	vld [tilespmem:s28+$0x1B0]  }
0xe7: {  	p0 =	slt.u32 s30, $0x18;
	v13 =	vld [tilespmem:s31+$0x1D0]  }
0xe8: {  	v14 =	vld [tilespmem:s28+$0x1D0]  }
0xe9: {  	v15 =	vld [tilespmem:s31+$0x1F0]  }
0xea: {  	v4 =	vmul.f32 v4, v8;
	v3 =	vmul.f32 v3, v9;
	v8 =	vld [tilespmem:s28+$0x1F0]  }
0xeb: {  	v5 =	vmul.f32 v10, v5;
	v2 =	vld [tilespmem:s28+$0xFFFFFE00];
	v1 =	vmul.f32 v1, v11  }
0xec: {  	v6 =	vmul.f32 v6, v12;
	v9 =	vld [tilespmem:s31+$0xFFFFFE10]  }
0xed: {  	v4 =	vadd.f32 v5, v4;
	v10 =	vld [tilespmem:s28+$0xFFFFFE10];
	v1 =	vadd.f32 v1, v3;
	v3 =	vmul.f32 v14, v13  }
0xee: {  	v0 =	vmul.f32 v7, v0;
	v5 =	vld [tilespmem:s31+$0xFFFFFE20]  }
0xef: {  	v4 =	vadd.f32 v6, v4;
	v7 =	vld [tilespmem:s28+$0xFFFFFE20];
	v1 =	vadd.f32 v3, v1;
	v3 =	vmul.f32 v8, v15  }
0xf0: {  	v6 =	vld [tilespmem:s31+$0xFFFFFE30]  }
0xf1: {  	v0 =	vadd.f32 v0, v4;
	v8 =	vld [tilespmem:s28+$0xFFFFFE30];
	v1 =	vadd.f32 v3, v1  }
0xf2: {  	v4 =	vmul.f32 v10, v9;
	v9 =	vld [tilespmem:s31+$0xFFFFFE80]  }
0xf3: {  	v10 =	vld [tilespmem:s28+$0xFFFFFE80];
	v0 =	vadd.f32 v1, v0  }
0xf4: {  	s29 =	sadd.s32 $0x400, s29;
	v3 =	vmul.f32 v7, v5;
	v1 =	vld [tilespmem:s31+$0xFFFFFE90]  }
0xf5: {  	v5 =	vld [tilespmem:s28+$0xFFFFFE90];
	[tilespmem:s29+$0x180] =	vst v0  }
0xf6: {  	v0 =	vmul.f32 v8, v6;
	v6 =	vld [tilespmem:s31+$0xFFFFFEA0]  }
0xf7: {  	v7 =	vld [tilespmem:s28+$0xFFFFFEA0]  }
0xf8: {  	v4 =	vadd.f32 v0, v4;
	v0 =	vmul.f32 v10, v9;
	v8 =	vld [tilespmem:s31+$0xFFFFFEB0]  }
0xf9: {  	v9 =	vld [tilespmem:s28+$0xFFFFFEB0]  }
0xfa: {  	v1 =	vmul.f32 v5, v1;
	v10 =	vld [tilespmem:s31+$0xFFFFFF00]  }
0xfb: {  	v11 =	vld [tilespmem:s28+$0xFFFFFF00]  }
0xfc: {  	v5 =	vmul.f32 v7, v6;
	v7 =	vld [tilespmem:s31+$0xFFFFFF10]  }
0xfd: {  	v12 =	vld [tilespmem:s28+$0xFFFFFF10]  }
0xfe: {  	v5 =	vadd.f32 v5, v0;
	v0 =	vmul.f32 v9, v8;
	v8 =	vld [tilespmem:s31+$0xFFFFFF20]  }
0xff: {  	v9 =	vld [tilespmem:s28+$0xFFFFFF20]  }
0x100: {  	v6 =	vadd.f32 v0, v1;
	v0 =	vmul.f32 v11, v10;
	v1 =	vld [tilespmem:s31+$0xFFFFFF30]  }
0x101: {  	v10 =	vld [tilespmem:s28+$0xFFFFFF30]  }
0x102: {  	v7 =	vmul.f32 v12, v7;
	v11 =	vld [tilespmem:s31+$0xFFFFFF80]  }
0x103: {  	v12 =	vld [tilespmem:s28+$0xFFFFFF80]  }
0x104: {  	v8 =	vmul.f32 v9, v8;
	v9 =	vld [tilespmem:s31+$0xFFFFFF90]  }
0x105: {  	v13 =	vld [tilespmem:s28+$0xFFFFFF90]  }
0x106: {  	v0 =	vadd.f32 v8, v0;
	v1 =	vmul.f32 v10, v1;
	v8 =	vld [tilespmem:s31+$0xFFFFFFA0]  }
0x107: {  	v10 =	vld [tilespmem:s28+$0xFFFFFFA0]  }
0x108: {  	v1 =	vadd.f32 v1, v7;
	v7 =	vmul.f32 v12, v11;
	v11 =	vld [tilespmem:s31+$0xFFFFFFB0]  }
0x109: {  	v12 =	vld [tilespmem:s28+$0xFFFFFFB0]  }
0x10a: {  	v9 =	vmul.f32 v13, v9;
	v13 =	vld [tilespmem:s31+$0x0]  }
0x10b: {  	v14 =	vld [tilespmem:s28+$0x0]  }
0x10c: {  	v8 =	vmul.f32 v10, v8;
	v10 =	vld [tilespmem:s31+$0x10]  }
0x10d: {  	v15 =	vld [tilespmem:s28+$0x10]  }
0x10e: {  	v7 =	vadd.f32 v8, v7;
	v8 =	vmul.f32 v12, v11;
	v11 =	vld [tilespmem:s31+$0x20]  }
0x10f: {  	v12 =	vld [tilespmem:s28+$0x20]  }
0x110: {  	v8 =	vadd.f32 v8, v9;
	v9 =	vmul.f32 v14, v13;
	v13 =	vld [tilespmem:s31+$0x30]  }
0x111: {  	v14 =	vld [tilespmem:s28+$0x30]  }
0x112: {  	v10 =	vmul.f32 v15, v10;
	v15 =	vld [tilespmem:s31+$0x80]  }
0x113: {  	v16 =	vld [tilespmem:s28+$0x80]  }
0x114: {  	v11 =	vmul.f32 v12, v11;
	v12 =	vld [tilespmem:s31+$0x90]  }
0x115: {  	v17 =	vld [tilespmem:s28+$0x90]  }
0x116: {  	v9 =	vadd.f32 v11, v9;
	v11 =	vmul.f32 v14, v13;
	v13 =	vld [tilespmem:s31+$0xA0]  }
0x117: {  	v14 =	vld [tilespmem:s28+$0xA0]  }
0x118: {  	v10 =	vadd.f32 v11, v10;
	v11 =	vmul.f32 v16, v15;
	v15 =	vld [tilespmem:s31+$0xB0]  }
0x119: {  	v16 =	vld [tilespmem:s28+$0xB0]  }
0x11a: {  	v12 =	vmul.f32 v17, v12;
	v17 =	vld [tilespmem:s31+$0x100]  }
0x11b: {  	v18 =	vld [tilespmem:s28+$0x100]  }
0x11c: {  	v13 =	vmul.f32 v14, v13;
	v14 =	vld [tilespmem:s31+$0x110]  }
0x11d: {  	v19 =	vld [tilespmem:s28+$0x110]  }
0x11e: {  	v11 =	vadd.f32 v13, v11;
	v13 =	vmul.f32 v16, v15;
	v15 =	vld [tilespmem:s31+$0x120]  }
0x11f: {  	v16 =	vld [tilespmem:s28+$0x120]  }
0x120: {  	v12 =	vadd.f32 v13, v12;
	v13 =	vmul.f32 v18, v17;
	v17 =	vld [tilespmem:s31+$0x130]  }
0x121: {  	v18 =	vld [tilespmem:s28+$0x130]  }
0x122: {  	v20 =	vld [tilespmem:s31+$0xFFFFFE00];
	v14 =	vmul.f32 v19, v14  }
0x123: {  	v19 =	vld [tilespmem:s31+$0xFFFFFE40]  }
0x124: {  	v21 =	vld [tilespmem:s28+$0xFFFFFE40];
	v15 =	vmul.f32 v16, v15  }
0x125: {  	v16 =	vld [tilespmem:s31+$0xFFFFFE50]  }
0x126: {  	v22 =	vld [tilespmem:s28+$0xFFFFFE50];
	v13 =	vadd.f32 v15, v13;
	v15 =	vmul.f32 v18, v17  }
0x127: {  	v2 =	vmul.f32 v2, v20;
	v17 =	vld [tilespmem:s31+$0xFFFFFEC0]  }
0x128: {  	v18 =	vld [tilespmem:s28+$0xFFFFFEC0];
	v14 =	vadd.f32 v15, v14  }
0x129: {  	v2 =	vadd.f32 v3, v2;
	v3 =	vmul.f32 v21, v19;
	v15 =	vld [tilespmem:s31+$0xFFFFFED0]  }
0x12a: {  	v19 =	vld [tilespmem:s28+$0xFFFFFED0]  }
0x12b: {  	v20 =	vadd.f32 v3, v2;
	v2 =	vmul.f32 v22, v16;
	v3 =	vld [tilespmem:s31+$0xFFFFFF40]  }
0x12c: {  	v16 =	vld [tilespmem:s28+$0xFFFFFF40]  }
0x12d: {  	v21 =	vadd.f32 v2, v4;
	v2 =	vmul.f32 v18, v17;
	v4 =	vld [tilespmem:s31+$0xFFFFFF50]  }
0x12e: {  	v17 =	vld [tilespmem:s28+$0xFFFFFF50]  }
0x12f: {  	v18 =	vadd.f32 v2, v5;
	v2 =	vmul.f32 v19, v15;
	v5 =	vld [tilespmem:s31+$0xFFFFFFC0]  }
0x130: {  	v15 =	vld [tilespmem:s28+$0xFFFFFFC0]  }
0x131: {  	v6 =	vadd.f32 v2, v6;
	v2 =	vmul.f32 v16, v3;
	v3 =	vld [tilespmem:s31+$0xFFFFFFD0]  }
0x132: {  	v16 =	vld [tilespmem:s28+$0xFFFFFFD0]  }
0x133: {  	v0 =	vadd.f32 v2, v0;
	v2 =	vmul.f32 v17, v4;
	v4 =	vld [tilespmem:s31+$0x40]  }
0x134: {  	v17 =	vld [tilespmem:s28+$0x40]  }
0x135: {  	v1 =	vadd.f32 v2, v1;
	v2 =	vmul.f32 v15, v5;
	v5 =	vld [tilespmem:s31+$0x50]  }
0x136: {  	v15 =	vld [tilespmem:s28+$0x50]  }
0x137: {  	v7 =	vadd.f32 v2, v7;
	v2 =	vmul.f32 v16, v3;
	v3 =	vld [tilespmem:s31+$0xC0]  }
0x138: {  	v16 =	vld [tilespmem:s28+$0xC0]  }
0x139: {  	v8 =	vadd.f32 v2, v8;
	v2 =	vmul.f32 v17, v4;
	v4 =	vld [tilespmem:s31+$0xD0]  }
0x13a: {  	v17 =	vld [tilespmem:s28+$0xD0]  }
0x13b: {  	v9 =	vadd.f32 v2, v9;
	v2 =	vmul.f32 v15, v5;
	v5 =	vld [tilespmem:s31+$0x140]  }
0x13c: {  	v15 =	vld [tilespmem:s28+$0x140]  }
0x13d: {  	v10 =	vadd.f32 v2, v10;
	v2 =	vmul.f32 v16, v3;
	v16 =	vld [tilespmem:s31+$0x150]  }
0x13e: {  	v19 =	vld [tilespmem:s28+$0x150]  }
0x13f: {  	v22 =	vld [tilespmem:s31+$0xFFFFFE60];
	v2 =	vadd.f32 v2, v11;
	v3 =	vmul.f32 v17, v4  }
0x140: {  	v11 =	vld [tilespmem:s28+$0xFFFFFE60]  }
0x141: {  	v17 =	vld [tilespmem:s31+$0xFFFFFE70];
	v3 =	vadd.f32 v3, v12;
	v4 =	vmul.f32 v15, v5  }
0x142: {  	v12 =	vld [tilespmem:s28+$0xFFFFFE70]  }
0x143: {  	v15 =	vld [tilespmem:s31+$0xFFFFFEE0];
	v4 =	vadd.f32 v4, v13;
	v5 =	vmul.f32 v19, v16  }
0x144: {  	v13 =	vld [tilespmem:s28+$0xFFFFFEE0]  }
0x145: {  	v11 =	vmul.f32 v11, v22;
	v16 =	vld [tilespmem:s31+$0xFFFFFEF0];
	v5 =	vadd.f32 v5, v14  }
0x146: {  	v14 =	vld [tilespmem:s28+$0xFFFFFEF0]  }
0x147: {  	v11 =	vadd.f32 v11, v20;
	v12 =	vmul.f32 v12, v17;
	v17 =	vld [tilespmem:s31+$0xFFFFFF60]  }
0x148: {  	v19 =	vld [tilespmem:s28+$0xFFFFFF60]  }
0x149: {  	v12 =	vadd.f32 v12, v21;
	v13 =	vmul.f32 v13, v15;
	v15 =	vld [tilespmem:s31+$0xFFFFFF70]  }
0x14a: {  	v20 =	vld [tilespmem:s28+$0xFFFFFF70]  }
0x14b: {  	v11 =	vadd.f32 v12, v11;
	v12 =	vadd.f32 v13, v18;
	v13 =	vmul.f32 v14, v16;
	v14 =	vld [tilespmem:s31+$0xFFFFFFE0]  }
0x14c: {  	v16 =	vld [tilespmem:s28+$0xFFFFFFE0]  }
0x14d: {  	[tilespmem:s29+$0xFFFFFE00] =	vst v11;
	v6 =	vadd.f32 v13, v6;
	v11 =	vmul.f32 v19, v17;
	v13 =	vld [tilespmem:s31+$0xFFFFFFF0]  }
0x14e: {  	v17 =	vld [tilespmem:s28+$0xFFFFFFF0]  }
0x14f: {  	v6 =	vadd.f32 v6, v12;
	v0 =	vadd.f32 v11, v0;
	v11 =	vmul.f32 v20, v15;
	v12 =	vld [tilespmem:s31+$0x60]  }
0x150: {  	v15 =	vld [tilespmem:s28+$0x60]  }
0x151: {  	[tilespmem:s29+$0xFFFFFE80] =	vst v6;
	v1 =	vadd.f32 v11, v1;
	v6 =	vmul.f32 v16, v14;
	v11 =	vld [tilespmem:s31+$0x70]  }
0x152: {  	v14 =	vld [tilespmem:s28+$0x70]  }
0x153: {  	v0 =	vadd.f32 v1, v0;
	v1 =	vadd.f32 v6, v7;
	v6 =	vmul.f32 v17, v13;
	v13 =	vld [tilespmem:s31+$0xE0]  }
0x154: {  	v16 =	vld [tilespmem:s28+$0xE0]  }
0x155: {  	[tilespmem:s29+$0xFFFFFF00] =	vst v0;
	v0 =	vadd.f32 v6, v8;
	v8 =	vmul.f32 v15, v12;
	v6 =	vld [tilespmem:s31+$0xF0]  }
.Ltmp0:
0x156: {  	v7 =	vld [tilespmem:s28+$0xF0];
	(pc) =	sbr.rel @p0 .LBB2_2-.Ltmp0, $4  }
0x157: {  	v0 =	vadd.f32 v0, v1;
	v12 =	vadd.f32 v8, v9;
	v1 =	vmul.f32 v14, v11;
	v8 =	vld [tilespmem:s31+$0x160]  }
0x158: {  	v9 =	vld [tilespmem:s28+$0x160]  }
0x159: {  	[tilespmem:s29+$0xFFFFFF80] =	vst v0;
	v14 =	vadd.f32 v1, v10;
	v13 =	vmul.f32 v16, v13;
	v10 =	vld [tilespmem:s31+$0x170]  }
0x15a: {  	s31 =	sadd.s32 $0x400, s31;
	v11 =	vld [tilespmem:s28+$0x170]  }
0x15b: {  	_ =	sdelay $0x2  }
0x15c: {  	v0 =	vmul.f32 v7, v6  }
0x15d: {  	v1 =	vadd.f32 v14, v12;
	v52 =	vmul.f32 v9, v8;
	v53 =	vmul.f32 v11, v10  }
0x15e: {  	v2 =	vadd.f32 v13, v2;
	v0 =	vadd.f32 v0, v3  }
0x15f: {  	v54 =	vadd.f32 v52, v4;
	v55 =	vadd.f32 v53, v5  }
0x160: {  	v0 =	vadd.f32 v0, v2  }
0x161: {  	[tilespmem:s29+$0x0] =	vst v1;
	v56 =	vadd.f32 v55, v54  }
0x162: {  	[tilespmem:s29+$0x80] =	vst v0  }
0x163: {  	[tilespmem:s29+$0x100] =	vst v56  }
0x164: {  	_ =	swait.ge [sflag:s22], $0x1000  }
0x165: {  	[sflag:s22] =	ssyncset.done $0x0  }
0x166: {  	[sflag:s22] =	ssyncadd.s32 $0xFFFFF000  }
0x167: {  	_ =	swait.ge [sflag:s22], $0x1000  }
0x168: {  	[sflag:s22] =	ssyncset.done $0x0  }
0x169: {  	v59 =	vld [tilespmem:$0x1FFE0];
	[sflag:s22] =	ssyncadd.s32 $0xFFFFF000  }
0x16a: {  	v57 =	vld [tilespmem:$0x0]  }
0x16b: {  	v58 =	vld [tilespmem:$0x80];
	_ =	sdelay $0x3  }
0x16c: {  	v0 =	vand.u32 $0x7F, v57  }
0x16d: {  	v1 =	vand.u32 $0x7F, v58;
	v0 =	vor.u32 v59, v0  }
0x16e: {  	v1 =	vor.u32 v59, v1  }
0x16f: {  	v62 =	vld [tilespmem:$0x1FFF0]  }
0x170: {  	v60 =	vld [tilespmem:$0x10]  }
0x171: {  	v61 =	vld [tilespmem:$0x90]  }
0x172: {  	v0 =	vld.idx.msk [tilespmem:v0+s18+$0x0], $0xffff  }
0x173: {  	v1 =	vld.idx.msk [tilespmem:v1+s20+$0x0], $0xffff;
	_ =	sdelay $0x1  }
0x174: {  	v2 =	vand.u32 $0x7F, v60  }
0x175: {  	v3 =	vand.u32 $0x7F, v61;
	v2 =	vor.u32 v62, v2  }
0x176: {  	v3 =	vor.u32 v62, v3  }
0x177: {  	v0 =	vadd.f32 v1, v0;
	_ =	sdelay $0x1  }
0x178: {  	[tilespmem:$0x5200] =	vst v0  }
0x179: {  	v0 =	vld.idx.msk [tilespmem:v2+s18+$0x0], $0xffff  }
0x17a: {  	v63 =	vld.idx.msk [tilespmem:v3+s20+$0x0], $0xffff;
	_ =	sdelay $0x4  }
0x17b: {  	v0 =	vadd.f32 v63, v0;
	_ =	sdelay $0x1  }
0x17c: {  	[tilespmem:$0x5210] =	vst v0  }
0x17d: {  	[hbm4b:s9+s4] =	stream.linear.scatter [tilespmem:s23], [sflag:$0x4], $0x1000, $0x38;
	[tilespmem:$0x5280] =	vst v63  }
0x17e: {  	s26 =	sadd.s32 $0x1, s26;
	_ =	swait.ge [sflag:s24], $0x1000  }
0x17f: {  	p0 =	sne.s32 s26, s11;
	[sflag:s24] =	ssyncset.done $0x0  }
.Ltmp1:
0x180: {  	[sflag:s24] =	ssyncadd.s32 $0xFFFFF000;
	(pc) =	sbr.rel @p0 .LBB2_1-.Ltmp1, $4  }
0x181: {  	[hbm4b:s10+s4] =	stream.linear.scatter [tilespmem:s25], [sflag:$0x4], $0x20, $0x38;
	[tilespmem:$0x5280] =	vst v63  }
0x182: {  	_ =	swait.ge [sflag:s24], $0x20  }
0x183: {  	[sflag:s24] =	ssyncset.done $0x0  }
0x184: {  	[sflag:s24] =	ssyncadd.s32 $0xFFFFFFE0  }
0x185: {  	_ =	sfence.sel $0x180000  }
0x186: {  	[bflag:$0x0] =	sbarrier.arrive $0xFFFF  }
0x187: {  	p0 =	sne.s32 s3, $0x0;
	_ =	strace $0x90000047  }
0x188: {  	s0 =	sadd.s32 @!p0 $0x100000, s0;
	[bflag:$0x2] =	sbarrier.arrive $0xFFFF  }
0x189: {  	[sflag:s0] =	ssyncadd.tile.s32 @!p0 $0x1;
	_ =	shalt  }
.Lfunc_end2:
_tile_overlayer_lowered:
.L_overlay_start_2:
0x18a: {  	(tag) =	ssettag $0x2  }
0x18b: {  	s0 =	rddreg [dreg:$0x0];
	s2 =	stileid.u32  }
0x18c: {  	s1 =	rddreg [dreg:$0x1];
	p0 =	sne.s32 s2, $0x0  }
0x18d: {  	s3 =	rddreg [dreg:$0x2];
	[bflag:$0x3] =	sbarrier.arrive $0xFFFF;
	s2 =	simm.s32 @!p0 $0x1C04  }
0x18e: {  	[timem:s3], [sflag:s2] =	dma.local @!p0 [hbm:s0], s1  }
0x18f: {  	s0 =	simm.s32 @!p0 $0x4  }
0x190: {  	_ =	swait.ge @!p0 [sflag:s0], s1  }
0x191: {  	s1 =	ssub.s32 @!p0 $0x0, s1;
	[sflag:s0] =	ssyncset.done @!p0 $0x0  }
0x192: {  	[sflag:s0] =	ssyncadd.s32 @!p0 s1  }
0x193: {  	[bflag:$0x3] =	sbarrier.arrive $0xFFFF  }
0x194: {  	_ =	shalt  }

</sc_bundles>
